<compile_context>
chip_gen: v7x
topology: tpu7x:2x2x1
jax: 0.10.2.dev20260603
libtpu: 0.0.44.dev20260713+nightly
codegen_flags: <defaults>
</compile_context>

<pallas_src>
import functools
import math

import jax
import jax.numpy as jnp
from jax import lax
from jax.experimental import pallas as pl
from jax.experimental.pallas import tpu as pltpu
from jax.experimental.pallas import tpu_sc as plsc

_C = 1000
_B = 16384
_SMOOTH = 0.1
_CONF = 1.0 - _SMOOTH
_SV = _SMOOTH / (_C - 1)
_CONST = _B * ((_C - 1) * _SV * math.log(_SV) + _CONF * math.log(_CONF))

_BSC = 6144
_BTC = _B - _BSC

_TBLK = 512
_NBT = _BTC // _TBLK // 2


def _tc_body(x0_ref, x1_ref, t0_ref, t1_ref, out_ref):
    partial = jnp.float32(0.0)
    for x_ref, t_ref in ((x0_ref, t0_ref), (x1_ref, t1_ref)):
        x = x_ref[...]
        lse = jnp.log(jnp.sum(jnp.exp(x), axis=1))
        t = t_ref[0, 0, :]
        cols = jax.lax.broadcasted_iota(jnp.int32, (_TBLK, _C), 1)
        w = jnp.where(cols == t[:, None], jnp.float32(_CONF), jnp.float32(_SV))
        partial += jnp.sum(lse) - jnp.sum(x * w)

    @pl.when(pl.program_id(0) == 0)
    def _():
        out_ref[...] = jnp.full((1, 1), _CONST, dtype=jnp.float32)

    out_ref[...] += partial.reshape(1, 1)


_NW = 32
_RPW = _BSC // _NW
_CHUNK = 32
_NCH = _RPW // _CHUNK
_NVEC = _C // 16
_TAIL = _C - _NVEC * 16

_mesh = plsc.VectorSubcoreMesh(core_axis_name="c", subcore_axis_name="s")


@functools.partial(
    pl.kernel,
    mesh=_mesh,
    out_type=(
        jax.ShapeDtypeStruct((_BSC, 16), jnp.float32),
        jax.ShapeDtypeStruct((_NW, 16), jnp.float32),
    ),
    scratch_types=[
        pltpu.VMEM((_CHUNK, _C), jnp.float32),
        pltpu.VMEM((_CHUNK, _C), jnp.float32),
        pltpu.VMEM((_CHUNK, 16), jnp.float32),
        pltpu.VMEM((_RPW,), jnp.int32),
        pltpu.VMEM((16,), jnp.float32),
        pltpu.SemaphoreType.DMA,
        pltpu.SemaphoreType.DMA,
    ],
    compiler_params=pltpu.CompilerParams(needs_layout_passes=False),
)
def _sc_main(x_hbm, t_hbm, rows_out, neg_out, buf0, buf1, racc, tbuf, wacc,
             sem0, sem1):
    wid = lax.axis_index("s") * 2 + lax.axis_index("c")
    base = wid * _RPW
    pltpu.sync_copy(t_hbm.at[pl.ds(base, _RPW)], tbuf)
    tailmask = lax.iota(jnp.int32, 16) >= (16 - _TAIL)

    def start(ci, buf, sem):
        pltpu.async_copy(x_hbm.at[pl.ds(base + ci * _CHUNK, _CHUNK), :],
                         buf, sem)

    def wait(buf, sem):
        pltpu.make_async_copy(x_hbm.at[pl.ds(base, _CHUNK), :], buf,
                              sem).wait()

    def process(ci, buf, xg):
        xacc, gacc = xg

        def row_body(r, xa):
            def vec_body(v, c):
                ea, xa2 = c
                vv = buf[r, pl.ds(v * 16, 16)]
                return (ea + jnp.exp(vv), xa2 + vv)

            ea, xa = lax.fori_loop(
                0, _NVEC, vec_body, (jnp.zeros((16,), jnp.float32), xa),
                unroll=8)
            tail = buf[r, pl.ds(_C - 16, 16)]
            xa = xa + jnp.where(tailmask, tail, 0.0)
            ea = ea + jnp.where(tailmask, jnp.exp(tail), 0.0)
            racc[r] = ea
            return xa

        xacc = lax.fori_loop(0, _CHUNK, row_body, xacc)
        pltpu.sync_copy(
            racc, rows_out.at[pl.ds(wid * _RPW + ci * _CHUNK, _CHUNK)])

        def g_body(g, ga):
            ridx = lax.iota(jnp.int32, 16) + g * 16
            cidx = tbuf[pl.ds(ci * _CHUNK + g * 16, 16)]
            return ga + plsc.load_gather(buf, [ridx, cidx])

        gacc = lax.fori_loop(0, _CHUNK // 16, g_body, gacc)
        return (xacc, gacc)

    start(0, buf0, sem0)

    def pair_body(p, xg):
        start(2 * p + 1, buf1, sem1)
        wait(buf0, sem0)
        xg = process(2 * p, buf0, xg)

        @pl.when(p < _NCH // 2 - 1)
        def _():
            start(2 * p + 2, buf0, sem0)

        wait(buf1, sem1)
        return process(2 * p + 1, buf1, xg)

    z = jnp.zeros((16,), jnp.float32)
    xacc, gacc = lax.fori_loop(0, _NCH // 2, pair_body, (z, z))
    wacc[...] = jnp.float32(_SV) * xacc + jnp.float32(_CONF - _SV) * gacc
    pltpu.sync_copy(wacc, neg_out.at[wid])


def _epi_body(ptc_ref, rows_ref, neg_ref, out_ref):
    expsums = jnp.sum(rows_ref[...], axis=1)
    lse_sum = jnp.sum(jnp.log(expsums))
    neg = jnp.sum(neg_ref[...])
    out_ref[...] = (ptc_ref[0, 0] + lse_sum - neg).reshape(1, 1)


def kernel(output, target):
    t32 = target.astype(jnp.int32)
    t3 = t32[:_BTC].reshape(_NBT * 2, 1, _TBLK)

    ptc = pl.pallas_call(
        _tc_body,
        grid=(_NBT,),
        in_specs=[
            pl.BlockSpec((_TBLK, _C), lambda i: (i, 0)),
            pl.BlockSpec((_TBLK, _C), lambda i: (i + _NBT, 0)),
            pl.BlockSpec((1, 1, _TBLK), lambda i: (i, 0, 0)),
            pl.BlockSpec((1, 1, _TBLK), lambda i: (i + _NBT, 0, 0)),
        ],
        out_specs=pl.BlockSpec((1, 1), lambda i: (0, 0)),
        out_shape=jax.ShapeDtypeStruct((1, 1), jnp.float32),
    )(output, output, t3, t3)

    rows16, negs = _sc_main(output[_BTC:], t32[_BTC:])

    out = pl.pallas_call(
        _epi_body,
        out_shape=jax.ShapeDtypeStruct((1, 1), jnp.float32),
    )(ptc, rows16, negs)
    return out[0, 0]

# --- scband reference (transcript-rebuilt; emitter-appended) ---
"""Pipeline reference for scband-label-smoothing-loss-37383395344651 (READ-ONLY COPY).

The authoritative reference and input builder live on the scoring server;
editing this copy changes nothing except your own understanding.
"""

import jax, jax.numpy as jnp
import numpy as np

NUM_CLASSES = 1000
SMOOTHING = 0.1
BATCH = 16384

def setup_inputs(seed: int = 0) -> dict:
    key = jax.random.key(seed)
    k1, k2 = jax.random.split(key)
    output = jax.random.normal(k1, (BATCH, NUM_CLASSES), dtype=jnp.float32)
    target = jax.random.randint(k2, (BATCH,), 0, NUM_CLASSES, dtype=jnp.int64 if jax.config.jax_enable_x64 else jnp.int32)
    return {"output": output, "target": target}

def reference(output, target):
    confidence = 1.0 - SMOOTHING
    smoothing_value = SMOOTHING / (NUM_CLASSES - 1)
    B = target.shape[0]
    # one_hot buffer repeated over batch, then scatter confidence at target positions
    model_prob = jnp.full((B, NUM_CLASSES), smoothing_value, dtype=output.dtype)
    model_prob = model_prob.at[jnp.arange(B), target].set(confidence)
    log_probs = jax.nn.log_softmax(output, axis=1)
    # F.kl_div(input=log_probs, target=model_prob, reduction='sum')
    #   = sum(model_prob * (log(model_prob) - log_probs))
    return jnp.sum(model_prob * (jnp.log(model_prob) - log_probs))

if __name__ == "__main__":
    import jax
    _d = setup_inputs()
    print(jax.jit(kernel)(*tuple(_d.values())))

</pallas_src>

<mosaic_0001>
#map = affine_map<(d0, d1) -> (0, 0)>
#map1 = affine_map<(d0, d1) -> (0)>
module attributes {stable_mosaic.version = 14 : i64} {
  func.func @_sc_main(%arg0: i32, %arg1: i32, %arg2: memref<6144x1000xf32, #tpu.memory_space<hbm>>, %arg3: memref<6144xi32, #tpu.memory_space<hbm>>, %arg4: memref<6144x16xf32, #tpu.memory_space<hbm>>, %arg5: memref<32x16xf32, #tpu.memory_space<hbm>>, %arg6: memref<32x1000xf32, #tpu.memory_space<vmem>>, %arg7: memref<32x1000xf32, #tpu.memory_space<vmem>>, %arg8: memref<32x16xf32, #tpu.memory_space<vmem>>, %arg9: memref<192xi32, #tpu.memory_space<vmem>>, %arg10: memref<16xf32, #tpu.memory_space<vmem>>, %arg11: memref<!tpu.dma_semaphore, #tpu.memory_space<semaphore_mem>>, %arg12: memref<!tpu.dma_semaphore, #tpu.memory_space<semaphore_mem>>) attributes {dimension_semantics = [#tpu.dimension_semantics<core_parallel>, #tpu.dimension_semantics<subcore_parallel>], iteration_bounds = array<i64: 2, 16>, scalar_prefetch = 0 : i64, scratch_operands = 7 : i64, tpu.core_type = #tpu.core_type<sc_vector_subcore>, window_params = [{transform_indices = #map}, {transform_indices = #map1}, {transform_indices = #map}, {transform_indices = #map}]} {
    %mul3A = arith.constant 2 : i32
    %mul3A_0 = arith.muli %arg1, %mul3A : i32
    %add3A = arith.addi %mul3A_0, %arg0 : i32
    %mul3A_1 = arith.constant 192 : i32
    %mul3A_2 = arith.muli %add3A, %mul3A_1 : i32
    "tpu.region"() ({
      %run_scoped3A = tpu.sem_alloc : memref<!tpu.dma_semaphore, #tpu.memory_space<semaphore_mem>>
      %dma_start3A_24 = tpu.memref_slice %arg3[%mul3A_2] : memref<6144xi32, #tpu.memory_space<hbm>> -> memref<192xi32, #tpu.memory_space<hbm>>
      %dma_start3A_25 = tpu.memref_slice %arg3[%mul3A_2] : memref<6144xi32, #tpu.memory_space<hbm>> -> memref<192xi32, #tpu.memory_space<hbm>>
      tpu.enqueue_dma source(%dma_start3A_25 : memref<192xi32, #tpu.memory_space<hbm>>) target(%arg9 : memref<192xi32, #tpu.memory_space<vmem>>) target_semaphore(%run_scoped3A : memref<!tpu.dma_semaphore, #tpu.memory_space<semaphore_mem>>)
      %dma_wait3A = tpu.memref_slice %arg3[%mul3A_2] : memref<6144xi32, #tpu.memory_space<hbm>> -> memref<192xi32, #tpu.memory_space<hbm>>
      %dma_wait3A_26 = tpu.memref_slice %arg3[%mul3A_2] : memref<6144xi32, #tpu.memory_space<hbm>> -> memref<192xi32, #tpu.memory_space<hbm>>
      tpu.wait_dma2 semaphore(%run_scoped3A : memref<!tpu.dma_semaphore, #tpu.memory_space<semaphore_mem>>) src(%dma_wait3A_26 : memref<192xi32, #tpu.memory_space<hbm>>) dst(%arg9 : memref<192xi32, #tpu.memory_space<vmem>>)
      tpu.yield
    }) : () -> ()
    %iota3A = tpu.iota {dimensions = array<i32: 0>} : vector<16xi32>
    %ge3A = arith.constant 8 : i32
    %ge3A_3 = vector.broadcast %ge3A : i32 to vector<16xi32>
    %ge3A_4 = arith.cmpi sge, %iota3A, %ge3A_3 : vector<16xi32>
    %add3A_5 = arith.constant 0 : i32
    %add3A_6 = arith.addi %mul3A_2, %add3A_5 : i32
    %dma_start3A = arith.constant 0 : i32
    %dma_start3A_7 = tpu.memref_slice %arg2[%add3A_6, %dma_start3A] : memref<6144x1000xf32, #tpu.memory_space<hbm>> -> memref<32x1000xf32, #tpu.memory_space<hbm>>
    %dma_start3A_8 = arith.constant 0 : i32
    %dma_start3A_9 = tpu.memref_slice %arg2[%add3A_6, %dma_start3A_8] : memref<6144x1000xf32, #tpu.memory_space<hbm>> -> memref<32x1000xf32, #tpu.memory_space<hbm>>
    tpu.enqueue_dma source(%dma_start3A_9 : memref<32x1000xf32, #tpu.memory_space<hbm>>) target(%arg6 : memref<32x1000xf32, #tpu.memory_space<vmem>>) target_semaphore(%arg11 : memref<!tpu.dma_semaphore, #tpu.memory_space<semaphore_mem>>)
    %broadcast_in_dim3A = arith.constant 0.000000e+00 : f32
    %broadcast_in_dim3A_10 = vector.broadcast %broadcast_in_dim3A : f32 to vector<16xf32>
    %scan3A = arith.constant 0 : i32
    %scan3A_11 = arith.constant 3 : i32
    %scan3A_12 = arith.addi %scan3A, %scan3A_11 : i32
    %scan3A_13 = arith.constant 1 : i32
    %scan3A_14:2 = scf.for %scan3A_24 = %scan3A to %scan3A_12 step %scan3A_13 iter_args(%scan3A_25 = %broadcast_in_dim3A_10, %scan3A_26 = %broadcast_in_dim3A_10) -> (vector<16xf32>, vector<16xf32>)  : i32 {
      %mul3A_27 = arith.constant 2 : i32
      %mul3A_28 = arith.muli %mul3A_27, %scan3A_24 : i32
      %add3A_29 = arith.constant 1 : i32
      %add3A_30 = arith.addi %mul3A_28, %add3A_29 : i32
      %mul3A_31 = arith.constant 32 : i32
      %mul3A_32 = arith.muli %add3A_30, %mul3A_31 : i32
      %add3A_33 = arith.addi %mul3A_2, %mul3A_32 : i32
      %dma_start3A_34 = arith.constant 0 : i32
      %dma_start3A_35 = tpu.memref_slice %arg2[%add3A_33, %dma_start3A_34] : memref<6144x1000xf32, #tpu.memory_space<hbm>> -> memref<32x1000xf32, #tpu.memory_space<hbm>>
      %dma_start3A_36 = arith.constant 0 : i32
      %dma_start3A_37 = tpu.memref_slice %arg2[%add3A_33, %dma_start3A_36] : memref<6144x1000xf32, #tpu.memory_space<hbm>> -> memref<32x1000xf32, #tpu.memory_space<hbm>>
      tpu.enqueue_dma source(%dma_start3A_37 : memref<32x1000xf32, #tpu.memory_space<hbm>>) target(%arg7 : memref<32x1000xf32, #tpu.memory_space<vmem>>) target_semaphore(%arg12 : memref<!tpu.dma_semaphore, #tpu.memory_space<semaphore_mem>>)
      %dma_wait3A = arith.constant 0 : i32
      %dma_wait3A_38 = tpu.memref_slice %arg2[%mul3A_2, %dma_wait3A] : memref<6144x1000xf32, #tpu.memory_space<hbm>> -> memref<32x1000xf32, #tpu.memory_space<hbm>>
      %dma_wait3A_39 = arith.constant 0 : i32
      %dma_wait3A_40 = tpu.memref_slice %arg2[%mul3A_2, %dma_wait3A_39] : memref<6144x1000xf32, #tpu.memory_space<hbm>> -> memref<32x1000xf32, #tpu.memory_space<hbm>>
      tpu.wait_dma2 semaphore(%arg11 : memref<!tpu.dma_semaphore, #tpu.memory_space<semaphore_mem>>) src(%dma_wait3A_40 : memref<32x1000xf32, #tpu.memory_space<hbm>>) dst(%arg6 : memref<32x1000xf32, #tpu.memory_space<vmem>>)
      %mul3A_41 = arith.constant 2 : i32
      %mul3A_42 = arith.muli %mul3A_41, %scan3A_24 : i32
      %scan3A_43 = arith.constant 0 : i32
      %scan3A_44 = arith.constant 32 : i32
      %scan3A_45 = arith.addi %scan3A_43, %scan3A_44 : i32
      %scan3A_46 = arith.constant 1 : i32
      %scan3A_47 = scf.for %scan3A_87 = %scan3A_43 to %scan3A_45 step %scan3A_46 iter_args(%scan3A_88 = %scan3A_25) -> (vector<16xf32>)  : i32 {
        %broadcast_in_dim3A_89 = arith.constant 0.000000e+00 : f32
        %broadcast_in_dim3A_90 = vector.broadcast %broadcast_in_dim3A_89 : f32 to vector<16xf32>
        %scan3A_91 = arith.constant 0 : i32
        %scan3A_92 = arith.constant 56 : i32
        %scan3A_93 = arith.addi %scan3A_91, %scan3A_92 : i32
        %scan3A_94 = arith.constant 8 : i32
        %scan3A_95:2 = scf.for %scan3A_168 = %scan3A_91 to %scan3A_93 step %scan3A_94 iter_args(%scan3A_169 = %broadcast_in_dim3A_90, %scan3A_170 = %scan3A_88) -> (vector<16xf32>, vector<16xf32>)  : i32 {
          %mul3A_171 = arith.constant 16 : i32
          %mul3A_172 = arith.muli %scan3A_168, %mul3A_171 : i32
          %get3A_173 = arith.index_cast %scan3A_87 : i32 to index
          %get3A_174 = arith.index_cast %mul3A_172 : i32 to index
          %get3A_175 = tpu.vector_load %arg6[%get3A_173, %get3A_174] {strides = array<i32>} : memref<32x1000xf32, #tpu.memory_space<vmem>>, vector<16xf32>,
          %exp3A_176 = math.exp %get3A_175 : vector<16xf32>
          %add3A_177 = arith.addf %scan3A_169, %exp3A_176 : vector<16xf32>
          %add3A_178 = arith.addf %scan3A_170, %get3A_175 : vector<16xf32>
          %scan3A_179 = arith.constant 1 : i32
          %scan3A_180 = arith.addi %scan3A_168, %scan3A_179 : i32
          %mul3A_181 = arith.constant 16 : i32
          %mul3A_182 = arith.muli %scan3A_180, %mul3A_181 : i32
          %get3A_183 = arith.index_cast %scan3A_87 : i32 to index
          %get3A_184 = arith.index_cast %mul3A_182 : i32 to index
          %get3A_185 = tpu.vector_load %arg6[%get3A_183, %get3A_184] {strides = array<i32>} : memref<32x1000xf32, #tpu.memory_space<vmem>>, vector<16xf32>,
          %exp3A_186 = math.exp %get3A_185 : vector<16xf32>
          %add3A_187 = arith.addf %add3A_177, %exp3A_186 : vector<16xf32>
          %add3A_188 = arith.addf %add3A_178, %get3A_185 : vector<16xf32>
          %scan3A_189 = arith.constant 2 : i32
          %scan3A_190 = arith.addi %scan3A_168, %scan3A_189 : i32
          %mul3A_191 = arith.constant 16 : i32
          %mul3A_192 = arith.muli %scan3A_190, %mul3A_191 : i32
          %get3A_193 = arith.index_cast %scan3A_87 : i32 to index
          %get3A_194 = arith.index_cast %mul3A_192 : i32 to index
          %get3A_195 = tpu.vector_load %arg6[%get3A_193, %get3A_194] {strides = array<i32>} : memref<32x1000xf32, #tpu.memory_space<vmem>>, vector<16xf32>,
          %exp3A_196 = math.exp %get3A_195 : vector<16xf32>
          %add3A_197 = arith.addf %add3A_187, %exp3A_196 : vector<16xf32>
          %add3A_198 = arith.addf %add3A_188, %get3A_195 : vector<16xf32>
          %scan3A_199 = arith.constant 3 : i32
          %scan3A_200 = arith.addi %scan3A_168, %scan3A_199 : i32
          %mul3A_201 = arith.constant 16 : i32
          %mul3A_202 = arith.muli %scan3A_200, %mul3A_201 : i32
          %get3A_203 = arith.index_cast %scan3A_87 : i32 to index
          %get3A_204 = arith.index_cast %mul3A_202 : i32 to index
          %get3A_205 = tpu.vector_load %arg6[%get3A_203, %get3A_204] {strides = array<i32>} : memref<32x1000xf32, #tpu.memory_space<vmem>>, vector<16xf32>,
          %exp3A_206 = math.exp %get3A_205 : vector<16xf32>
          %add3A_207 = arith.addf %add3A_197, %exp3A_206 : vector<16xf32>
          %add3A_208 = arith.addf %add3A_198, %get3A_205 : vector<16xf32>
          %scan3A_209 = arith.constant 4 : i32
          %scan3A_210 = arith.addi %scan3A_168, %scan3A_209 : i32
          %mul3A_211 = arith.constant 16 : i32
          %mul3A_212 = arith.muli %scan3A_210, %mul3A_211 : i32
          %get3A_213 = arith.index_cast %scan3A_87 : i32 to index
          %get3A_214 = arith.index_cast %mul3A_212 : i32 to index
          %get3A_215 = tpu.vector_load %arg6[%get3A_213, %get3A_214] {strides = array<i32>} : memref<32x1000xf32, #tpu.memory_space<vmem>>, vector<16xf32>,
          %exp3A_216 = math.exp %get3A_215 : vector<16xf32>
          %add3A_217 = arith.addf %add3A_207, %exp3A_216 : vector<16xf32>
          %add3A_218 = arith.addf %add3A_208, %get3A_215 : vector<16xf32>
          %scan3A_219 = arith.constant 5 : i32
          %scan3A_220 = arith.addi %scan3A_168, %scan3A_219 : i32
          %mul3A_221 = arith.constant 16 : i32
          %mul3A_222 = arith.muli %scan3A_220, %mul3A_221 : i32
          %get3A_223 = arith.index_cast %scan3A_87 : i32 to index
          %get3A_224 = arith.index_cast %mul3A_222 : i32 to index
          %get3A_225 = tpu.vector_load %arg6[%get3A_223, %get3A_224] {strides = array<i32>} : memref<32x1000xf32, #tpu.memory_space<vmem>>, vector<16xf32>,
          %exp3A_226 = math.exp %get3A_225 : vector<16xf32>
          %add3A_227 = arith.addf %add3A_217, %exp3A_226 : vector<16xf32>
          %add3A_228 = arith.addf %add3A_218, %get3A_225 : vector<16xf32>
          %scan3A_229 = arith.constant 6 : i32
          %scan3A_230 = arith.addi %scan3A_168, %scan3A_229 : i32
          %mul3A_231 = arith.constant 16 : i32
          %mul3A_232 = arith.muli %scan3A_230, %mul3A_231 : i32
          %get3A_233 = arith.index_cast %scan3A_87 : i32 to index
          %get3A_234 = arith.index_cast %mul3A_232 : i32 to index
          %get3A_235 = tpu.vector_load %arg6[%get3A_233, %get3A_234] {strides = array<i32>} : memref<32x1000xf32, #tpu.memory_space<vmem>>, vector<16xf32>,
          %exp3A_236 = math.exp %get3A_235 : vector<16xf32>
          %add3A_237 = arith.addf %add3A_227, %exp3A_236 : vector<16xf32>
          %add3A_238 = arith.addf %add3A_228, %get3A_235 : vector<16xf32>
          %scan3A_239 = arith.constant 7 : i32
          %scan3A_240 = arith.addi %scan3A_168, %scan3A_239 : i32
          %mul3A_241 = arith.constant 16 : i32
          %mul3A_242 = arith.muli %scan3A_240, %mul3A_241 : i32
          %get3A_243 = arith.index_cast %scan3A_87 : i32 to index
          %get3A_244 = arith.index_cast %mul3A_242 : i32 to index
          %get3A_245 = tpu.vector_load %arg6[%get3A_243, %get3A_244] {strides = array<i32>} : memref<32x1000xf32, #tpu.memory_space<vmem>>, vector<16xf32>,
          %exp3A_246 = math.exp %get3A_245 : vector<16xf32>
          %add3A_247 = arith.addf %add3A_237, %exp3A_246 : vector<16xf32>
          %add3A_248 = arith.addf %add3A_238, %get3A_245 : vector<16xf32>
          scf.yield %add3A_247, %add3A_248 : vector<16xf32>, vector<16xf32>
        }
        %scan3A_96 = arith.constant 56 : i32
        %scan3A_97 = arith.addi %scan3A_91, %scan3A_96 : i32
        %mul3A_98 = arith.constant 16 : i32
        %mul3A_99 = arith.muli %scan3A_97, %mul3A_98 : i32
        %get3A = arith.index_cast %scan3A_87 : i32 to index
        %get3A_100 = arith.index_cast %mul3A_99 : i32 to index
        %get3A_101 = tpu.vector_load %arg6[%get3A, %get3A_100] {strides = array<i32>} : memref<32x1000xf32, #tpu.memory_space<vmem>>, vector<16xf32>,
        %exp3A = math.exp %get3A_101 : vector<16xf32>
        %add3A_102 = arith.addf %scan3A_95#0, %exp3A : vector<16xf32>
        %add3A_103 = arith.addf %scan3A_95#1, %get3A_101 : vector<16xf32>
        %scan3A_104 = arith.constant 57 : i32
        %scan3A_105 = arith.addi %scan3A_91, %scan3A_104 : i32
        %mul3A_106 = arith.constant 16 : i32
        %mul3A_107 = arith.muli %scan3A_105, %mul3A_106 : i32
        %get3A_108 = arith.index_cast %scan3A_87 : i32 to index
        %get3A_109 = arith.index_cast %mul3A_107 : i32 to index
        %get3A_110 = tpu.vector_load %arg6[%get3A_108, %get3A_109] {strides = array<i32>} : memref<32x1000xf32, #tpu.memory_space<vmem>>, vector<16xf32>,
        %exp3A_111 = math.exp %get3A_110 : vector<16xf32>
        %add3A_112 = arith.addf %add3A_102, %exp3A_111 : vector<16xf32>
        %add3A_113 = arith.addf %add3A_103, %get3A_110 : vector<16xf32>
        %scan3A_114 = arith.constant 58 : i32
        %scan3A_115 = arith.addi %scan3A_91, %scan3A_114 : i32
        %mul3A_116 = arith.constant 16 : i32
        %mul3A_117 = arith.muli %scan3A_115, %mul3A_116 : i32
        %get3A_118 = arith.index_cast %scan3A_87 : i32 to index
        %get3A_119 = arith.index_cast %mul3A_117 : i32 to index
        %get3A_120 = tpu.vector_load %arg6[%get3A_118, %get3A_119] {strides = array<i32>} : memref<32x1000xf32, #tpu.memory_space<vmem>>, vector<16xf32>,
        %exp3A_121 = math.exp %get3A_120 : vector<16xf32>
        %add3A_122 = arith.addf %add3A_112, %exp3A_121 : vector<16xf32>
        %add3A_123 = arith.addf %add3A_113, %get3A_120 : vector<16xf32>
        %scan3A_124 = arith.constant 59 : i32
        %scan3A_125 = arith.addi %scan3A_91, %scan3A_124 : i32
        %mul3A_126 = arith.constant 16 : i32
        %mul3A_127 = arith.muli %scan3A_125, %mul3A_126 : i32
        %get3A_128 = arith.index_cast %scan3A_87 : i32 to index
        %get3A_129 = arith.index_cast %mul3A_127 : i32 to index
        %get3A_130 = tpu.vector_load %arg6[%get3A_128, %get3A_129] {strides = array<i32>} : memref<32x1000xf32, #tpu.memory_space<vmem>>, vector<16xf32>,
        %exp3A_131 = math.exp %get3A_130 : vector<16xf32>
        %add3A_132 = arith.addf %add3A_122, %exp3A_131 : vector<16xf32>
        %add3A_133 = arith.addf %add3A_123, %get3A_130 : vector<16xf32>
        %scan3A_134 = arith.constant 60 : i32
        %scan3A_135 = arith.addi %scan3A_91, %scan3A_134 : i32
        %mul3A_136 = arith.constant 16 : i32
        %mul3A_137 = arith.muli %scan3A_135, %mul3A_136 : i32
        %get3A_138 = arith.index_cast %scan3A_87 : i32 to index
        %get3A_139 = arith.index_cast %mul3A_137 : i32 to index
        %get3A_140 = tpu.vector_load %arg6[%get3A_138, %get3A_139] {strides = array<i32>} : memref<32x1000xf32, #tpu.memory_space<vmem>>, vector<16xf32>,
        %exp3A_141 = math.exp %get3A_140 : vector<16xf32>
        %add3A_142 = arith.addf %add3A_132, %exp3A_141 : vector<16xf32>
        %add3A_143 = arith.addf %add3A_133, %get3A_140 : vector<16xf32>
        %scan3A_144 = arith.constant 61 : i32
        %scan3A_145 = arith.addi %scan3A_91, %scan3A_144 : i32
        %mul3A_146 = arith.constant 16 : i32
        %mul3A_147 = arith.muli %scan3A_145, %mul3A_146 : i32
        %get3A_148 = arith.index_cast %scan3A_87 : i32 to index
        %get3A_149 = arith.index_cast %mul3A_147 : i32 to index
        %get3A_150 = tpu.vector_load %arg6[%get3A_148, %get3A_149] {strides = array<i32>} : memref<32x1000xf32, #tpu.memory_space<vmem>>, vector<16xf32>,
        %exp3A_151 = math.exp %get3A_150 : vector<16xf32>
        %add3A_152 = arith.addf %add3A_142, %exp3A_151 : vector<16xf32>
        %add3A_153 = arith.addf %add3A_143, %get3A_150 : vector<16xf32>
        %scan3A_154 = arith.constant 62 : i32
        %get3A_155 = arith.index_cast %scan3A_87 : i32 to index
        %get3A_156 = arith.constant 984 : index
        %get3A_157 = tpu.vector_load %arg6[%get3A_155, %get3A_156] {strides = array<i32>} : memref<32x1000xf32, #tpu.memory_space<vmem>>, vector<16xf32>,
        %jit3A = arith.constant 0.000000e+00 : f32
        %broadcast_in_dim3A_158 = vector.broadcast %jit3A : f32 to vector<16xf32>
        %select_n3A = arith.select %ge3A_4, %get3A_157, %broadcast_in_dim3A_158 : vector<16xi1>, vector<16xf32>
        %add3A_159 = arith.addf %add3A_153, %select_n3A : vector<16xf32>
        %exp3A_160 = math.exp %get3A_157 : vector<16xf32>
        %jit3A_161 = arith.constant 0.000000e+00 : f32
        %broadcast_in_dim3A_162 = vector.broadcast %jit3A_161 : f32 to vector<16xf32>
        %select_n3A_163 = arith.select %ge3A_4, %exp3A_160, %broadcast_in_dim3A_162 : vector<16xi1>, vector<16xf32>
        %add3A_164 = arith.addf %add3A_152, %select_n3A_163 : vector<16xf32>
        %swap3A_165 = arith.index_cast %scan3A_87 : i32 to index
        %swap3A_166 = arith.constant 0 : index
        %swap3A_167 = tpu.vector_load %arg8[%swap3A_165, %swap3A_166] {strides = array<i32>} : memref<32x16xf32, #tpu.memory_space<vmem>>, vector<16xf32>,
        tpu.vector_store %arg8[%swap3A_165, %swap3A_166], %add3A_164 {strides = array<i32>} : memref<32x16xf32, #tpu.memory_space<vmem>>, vector<16xf32>,
        scf.yield %add3A_159 : vector<16xf32>
      }
      %scan3A_48 = arith.constant 32 : i32
      %mul3A_49 = arith.constant 192 : i32
      %mul3A_50 = arith.muli %add3A, %mul3A_49 : i32
      %mul3A_51 = arith.constant 32 : i32
      %mul3A_52 = arith.muli %mul3A_42, %mul3A_51 : i32
      %add3A_53 = arith.addi %mul3A_50, %mul3A_52 : i32
      "tpu.region"() ({
        %run_scoped3A = tpu.sem_alloc : memref<!tpu.dma_semaphore, #tpu.memory_space<semaphore_mem>>
        %dma_start3A_87 = arith.constant 0 : i32
        %dma_start3A_88 = tpu.memref_slice %arg4[%add3A_53, %dma_start3A_87] : memref<6144x16xf32, #tpu.memory_space<hbm>> -> memref<32x16xf32, #tpu.memory_space<hbm>>
        %dma_start3A_89 = arith.constant 0 : i32
        %dma_start3A_90 = tpu.memref_slice %arg4[%add3A_53, %dma_start3A_89] : memref<6144x16xf32, #tpu.memory_space<hbm>> -> memref<32x16xf32, #tpu.memory_space<hbm>>
        tpu.enqueue_dma source(%arg8 : memref<32x16xf32, #tpu.memory_space<vmem>>) target(%dma_start3A_90 : memref<32x16xf32, #tpu.memory_space<hbm>>) target_semaphore(%run_scoped3A : memref<!tpu.dma_semaphore, #tpu.memory_space<semaphore_mem>>)
        %dma_wait3A_91 = arith.constant 0 : i32
        %dma_wait3A_92 = tpu.memref_slice %arg4[%add3A_53, %dma_wait3A_91] : memref<6144x16xf32, #tpu.memory_space<hbm>> -> memref<32x16xf32, #tpu.memory_space<hbm>>
        %dma_wait3A_93 = arith.constant 0 : i32
        %dma_wait3A_94 = tpu.memref_slice %arg4[%add3A_53, %dma_wait3A_93] : memref<6144x16xf32, #tpu.memory_space<hbm>> -> memref<32x16xf32, #tpu.memory_space<hbm>>
        tpu.wait_dma2 semaphore(%run_scoped3A : memref<!tpu.dma_semaphore, #tpu.memory_space<semaphore_mem>>) src(%arg8 : memref<32x16xf32, #tpu.memory_space<vmem>>) dst(%dma_wait3A_94 : memref<32x16xf32, #tpu.memory_space<hbm>>)
        tpu.yield
      }) : () -> ()
      %scan3A_54 = arith.constant 0 : i32
      %scan3A_55 = arith.constant 2 : i32
      %scan3A_56 = arith.addi %scan3A_54, %scan3A_55 : i32
      %scan3A_57 = arith.constant 1 : i32
      %scan3A_58 = scf.for %scan3A_87 = %scan3A_54 to %scan3A_56 step %scan3A_57 iter_args(%scan3A_88 = %scan3A_26) -> (vector<16xf32>)  : i32 {
        %iota3A_89 = tpu.iota {dimensions = array<i32: 0>} : vector<16xi32>
        %mul3A_90 = arith.constant 16 : i32
        %mul3A_91 = arith.muli %scan3A_87, %mul3A_90 : i32
        %add3A_92 = vector.broadcast %mul3A_91 : i32 to vector<16xi32>
        %add3A_93 = arith.addi %iota3A_89, %add3A_92 : vector<16xi32>
        %mul3A_94 = arith.constant 32 : i32
        %mul3A_95 = arith.muli %mul3A_42, %mul3A_94 : i32
        %mul3A_96 = arith.constant 16 : i32
        %mul3A_97 = arith.muli %scan3A_87, %mul3A_96 : i32
        %add3A_98 = arith.addi %mul3A_95, %mul3A_97 : i32
        %get3A = arith.index_cast %add3A_98 : i32 to index
        %get3A_99 = tpu.vector_load %arg9[%get3A] {strides = array<i32>} : memref<192xi32, #tpu.memory_space<vmem>>, vector<16xi32>,
        %gather3A = tpu.vector_load_idx %arg6[%add3A_93, %get3A_99] : memref<32x1000xf32, #tpu.memory_space<vmem>>[vector<16xi32>, vector<16xi32>], vector<16xf32>,
        %add3A_100 = arith.addf %scan3A_88, %gather3A : vector<16xf32>
        scf.yield %add3A_100 : vector<16xf32>
      }
      %scan3A_59 = arith.constant 2 : i32
      %lt3A = arith.constant 2 : i32
      %lt3A_60 = arith.cmpi slt, %scan3A_24, %lt3A : i32
      %convert_element_type3A = arith.extui %lt3A_60 : i1 to i32
      %cond3A = arith.constant 0 : i32
      %cond3A_61 = arith.cmpi ne, %convert_element_type3A, %cond3A : i32
      scf.if %cond3A_61 {
        %mul3A_87 = arith.constant 2 : i32
        %mul3A_88 = arith.muli %mul3A_87, %scan3A_24 : i32
        %add3A_89 = arith.constant 2 : i32
        %add3A_90 = arith.addi %mul3A_88, %add3A_89 : i32
        %mul3A_91 = arith.constant 32 : i32
        %mul3A_92 = arith.muli %add3A_90, %mul3A_91 : i32
        %add3A_93 = arith.addi %mul3A_2, %mul3A_92 : i32
        %dma_start3A_94 = arith.constant 0 : i32
        %dma_start3A_95 = tpu.memref_slice %arg2[%add3A_93, %dma_start3A_94] : memref<6144x1000xf32, #tpu.memory_space<hbm>> -> memref<32x1000xf32, #tpu.memory_space<hbm>>
        %dma_start3A_96 = arith.constant 0 : i32
        %dma_start3A_97 = tpu.memref_slice %arg2[%add3A_93, %dma_start3A_96] : memref<6144x1000xf32, #tpu.memory_space<hbm>> -> memref<32x1000xf32, #tpu.memory_space<hbm>>
        tpu.enqueue_dma source(%dma_start3A_97 : memref<32x1000xf32, #tpu.memory_space<hbm>>) target(%arg6 : memref<32x1000xf32, #tpu.memory_space<vmem>>) target_semaphore(%arg11 : memref<!tpu.dma_semaphore, #tpu.memory_space<semaphore_mem>>)
      } else {
      }
      %dma_wait3A_62 = arith.constant 0 : i32
      %dma_wait3A_63 = tpu.memref_slice %arg2[%mul3A_2, %dma_wait3A_62] : memref<6144x1000xf32, #tpu.memory_space<hbm>> -> memref<32x1000xf32, #tpu.memory_space<hbm>>
      %dma_wait3A_64 = arith.constant 0 : i32
      %dma_wait3A_65 = tpu.memref_slice %arg2[%mul3A_2, %dma_wait3A_64] : memref<6144x1000xf32, #tpu.memory_space<hbm>> -> memref<32x1000xf32, #tpu.memory_space<hbm>>
      tpu.wait_dma2 semaphore(%arg12 : memref<!tpu.dma_semaphore, #tpu.memory_space<semaphore_mem>>) src(%dma_wait3A_65 : memref<32x1000xf32, #tpu.memory_space<hbm>>) dst(%arg7 : memref<32x1000xf32, #tpu.memory_space<vmem>>)
      %mul3A_66 = arith.constant 2 : i32
      %mul3A_67 = arith.muli %mul3A_66, %scan3A_24 : i32
      %add3A_68 = arith.constant 1 : i32
      %add3A_69 = arith.addi %mul3A_67, %add3A_68 : i32
      %scan3A_70 = arith.constant 0 : i32
      %scan3A_71 = arith.constant 32 : i32
      %scan3A_72 = arith.addi %scan3A_70, %scan3A_71 : i32
      %scan3A_73 = arith.constant 1 : i32
      %scan3A_74 = scf.for %scan3A_87 = %scan3A_70 to %scan3A_72 step %scan3A_73 iter_args(%scan3A_88 = %scan3A_47) -> (vector<16xf32>)  : i32 {
        %broadcast_in_dim3A_89 = arith.constant 0.000000e+00 : f32
        %broadcast_in_dim3A_90 = vector.broadcast %broadcast_in_dim3A_89 : f32 to vector<16xf32>
        %scan3A_91 = arith.constant 0 : i32
        %scan3A_92 = arith.constant 56 : i32
        %scan3A_93 = arith.addi %scan3A_91, %scan3A_92 : i32
        %scan3A_94 = arith.constant 8 : i32
        %scan3A_95:2 = scf.for %scan3A_168 = %scan3A_91 to %scan3A_93 step %scan3A_94 iter_args(%scan3A_169 = %broadcast_in_dim3A_90, %scan3A_170 = %scan3A_88) -> (vector<16xf32>, vector<16xf32>)  : i32 {
          %mul3A_171 = arith.constant 16 : i32
          %mul3A_172 = arith.muli %scan3A_168, %mul3A_171 : i32
          %get3A_173 = arith.index_cast %scan3A_87 : i32 to index
          %get3A_174 = arith.index_cast %mul3A_172 : i32 to index
          %get3A_175 = tpu.vector_load %arg7[%get3A_173, %get3A_174] {strides = array<i32>} : memref<32x1000xf32, #tpu.memory_space<vmem>>, vector<16xf32>,
          %exp3A_176 = math.exp %get3A_175 : vector<16xf32>
          %add3A_177 = arith.addf %scan3A_169, %exp3A_176 : vector<16xf32>
          %add3A_178 = arith.addf %scan3A_170, %get3A_175 : vector<16xf32>
          %scan3A_179 = arith.constant 1 : i32
          %scan3A_180 = arith.addi %scan3A_168, %scan3A_179 : i32
          %mul3A_181 = arith.constant 16 : i32
          %mul3A_182 = arith.muli %scan3A_180, %mul3A_181 : i32
          %get3A_183 = arith.index_cast %scan3A_87 : i32 to index
          %get3A_184 = arith.index_cast %mul3A_182 : i32 to index
          %get3A_185 = tpu.vector_load %arg7[%get3A_183, %get3A_184] {strides = array<i32>} : memref<32x1000xf32, #tpu.memory_space<vmem>>, vector<16xf32>,
          %exp3A_186 = math.exp %get3A_185 : vector<16xf32>
          %add3A_187 = arith.addf %add3A_177, %exp3A_186 : vector<16xf32>
          %add3A_188 = arith.addf %add3A_178, %get3A_185 : vector<16xf32>
          %scan3A_189 = arith.constant 2 : i32
          %scan3A_190 = arith.addi %scan3A_168, %scan3A_189 : i32
          %mul3A_191 = arith.constant 16 : i32
          %mul3A_192 = arith.muli %scan3A_190, %mul3A_191 : i32
          %get3A_193 = arith.index_cast %scan3A_87 : i32 to index
          %get3A_194 = arith.index_cast %mul3A_192 : i32 to index
          %get3A_195 = tpu.vector_load %arg7[%get3A_193, %get3A_194] {strides = array<i32>} : memref<32x1000xf32, #tpu.memory_space<vmem>>, vector<16xf32>,
          %exp3A_196 = math.exp %get3A_195 : vector<16xf32>
          %add3A_197 = arith.addf %add3A_187, %exp3A_196 : vector<16xf32>
          %add3A_198 = arith.addf %add3A_188, %get3A_195 : vector<16xf32>
          %scan3A_199 = arith.constant 3 : i32
          %scan3A_200 = arith.addi %scan3A_168, %scan3A_199 : i32
          %mul3A_201 = arith.constant 16 : i32
          %mul3A_202 = arith.muli %scan3A_200, %mul3A_201 : i32
          %get3A_203 = arith.index_cast %scan3A_87 : i32 to index
          %get3A_204 = arith.index_cast %mul3A_202 : i32 to index
          %get3A_205 = tpu.vector_load %arg7[%get3A_203, %get3A_204] {strides = array<i32>} : memref<32x1000xf32, #tpu.memory_space<vmem>>, vector<16xf32>,
          %exp3A_206 = math.exp %get3A_205 : vector<16xf32>
          %add3A_207 = arith.addf %add3A_197, %exp3A_206 : vector<16xf32>
          %add3A_208 = arith.addf %add3A_198, %get3A_205 : vector<16xf32>
          %scan3A_209 = arith.constant 4 : i32
          %scan3A_210 = arith.addi %scan3A_168, %scan3A_209 : i32
          %mul3A_211 = arith.constant 16 : i32
          %mul3A_212 = arith.muli %scan3A_210, %mul3A_211 : i32
          %get3A_213 = arith.index_cast %scan3A_87 : i32 to index
          %get3A_214 = arith.index_cast %mul3A_212 : i32 to index
          %get3A_215 = tpu.vector_load %arg7[%get3A_213, %get3A_214] {strides = array<i32>} : memref<32x1000xf32, #tpu.memory_space<vmem>>, vector<16xf32>,
          %exp3A_216 = math.exp %get3A_215 : vector<16xf32>
          %add3A_217 = arith.addf %add3A_207, %exp3A_216 : vector<16xf32>
          %add3A_218 = arith.addf %add3A_208, %get3A_215 : vector<16xf32>
          %scan3A_219 = arith.constant 5 : i32
          %scan3A_220 = arith.addi %scan3A_168, %scan3A_219 : i32
          %mul3A_221 = arith.constant 16 : i32
          %mul3A_222 = arith.muli %scan3A_220, %mul3A_221 : i32
          %get3A_223 = arith.index_cast %scan3A_87 : i32 to index
          %get3A_224 = arith.index_cast %mul3A_222 : i32 to index
          %get3A_225 = tpu.vector_load %arg7[%get3A_223, %get3A_224] {strides = array<i32>} : memref<32x1000xf32, #tpu.memory_space<vmem>>, vector<16xf32>,
          %exp3A_226 = math.exp %get3A_225 : vector<16xf32>
          %add3A_227 = arith.addf %add3A_217, %exp3A_226 : vector<16xf32>
          %add3A_228 = arith.addf %add3A_218, %get3A_225 : vector<16xf32>
          %scan3A_229 = arith.constant 6 : i32
          %scan3A_230 = arith.addi %scan3A_168, %scan3A_229 : i32
          %mul3A_231 = arith.constant 16 : i32
          %mul3A_232 = arith.muli %scan3A_230, %mul3A_231 : i32
          %get3A_233 = arith.index_cast %scan3A_87 : i32 to index
          %get3A_234 = arith.index_cast %mul3A_232 : i32 to index
          %get3A_235 = tpu.vector_load %arg7[%get3A_233, %get3A_234] {strides = array<i32>} : memref<32x1000xf32, #tpu.memory_space<vmem>>, vector<16xf32>,
          %exp3A_236 = math.exp %get3A_235 : vector<16xf32>
          %add3A_237 = arith.addf %add3A_227, %exp3A_236 : vector<16xf32>
          %add3A_238 = arith.addf %add3A_228, %get3A_235 : vector<16xf32>
          %scan3A_239 = arith.constant 7 : i32
          %scan3A_240 = arith.addi %scan3A_168, %scan3A_239 : i32
          %mul3A_241 = arith.constant 16 : i32
          %mul3A_242 = arith.muli %scan3A_240, %mul3A_241 : i32
          %get3A_243 = arith.index_cast %scan3A_87 : i32 to index
          %get3A_244 = arith.index_cast %mul3A_242 : i32 to index
          %get3A_245 = tpu.vector_load %arg7[%get3A_243, %get3A_244] {strides = array<i32>} : memref<32x1000xf32, #tpu.memory_space<vmem>>, vector<16xf32>,
          %exp3A_246 = math.exp %get3A_245 : vector<16xf32>
          %add3A_247 = arith.addf %add3A_237, %exp3A_246 : vector<16xf32>
          %add3A_248 = arith.addf %add3A_238, %get3A_245 : vector<16xf32>
          scf.yield %add3A_247, %add3A_248 : vector<16xf32>, vector<16xf32>
        }
        %scan3A_96 = arith.constant 56 : i32
        %scan3A_97 = arith.addi %scan3A_91, %scan3A_96 : i32
        %mul3A_98 = arith.constant 16 : i32
        %mul3A_99 = arith.muli %scan3A_97, %mul3A_98 : i32
        %get3A = arith.index_cast %scan3A_87 : i32 to index
        %get3A_100 = arith.index_cast %mul3A_99 : i32 to index
        %get3A_101 = tpu.vector_load %arg7[%get3A, %get3A_100] {strides = array<i32>} : memref<32x1000xf32, #tpu.memory_space<vmem>>, vector<16xf32>,
        %exp3A = math.exp %get3A_101 : vector<16xf32>
        %add3A_102 = arith.addf %scan3A_95#0, %exp3A : vector<16xf32>
        %add3A_103 = arith.addf %scan3A_95#1, %get3A_101 : vector<16xf32>
        %scan3A_104 = arith.constant 57 : i32
        %scan3A_105 = arith.addi %scan3A_91, %scan3A_104 : i32
        %mul3A_106 = arith.constant 16 : i32
        %mul3A_107 = arith.muli %scan3A_105, %mul3A_106 : i32
        %get3A_108 = arith.index_cast %scan3A_87 : i32 to index
        %get3A_109 = arith.index_cast %mul3A_107 : i32 to index
        %get3A_110 = tpu.vector_load %arg7[%get3A_108, %get3A_109] {strides = array<i32>} : memref<32x1000xf32, #tpu.memory_space<vmem>>, vector<16xf32>,
        %exp3A_111 = math.exp %get3A_110 : vector<16xf32>
        %add3A_112 = arith.addf %add3A_102, %exp3A_111 : vector<16xf32>
        %add3A_113 = arith.addf %add3A_103, %get3A_110 : vector<16xf32>
        %scan3A_114 = arith.constant 58 : i32
        %scan3A_115 = arith.addi %scan3A_91, %scan3A_114 : i32
        %mul3A_116 = arith.constant 16 : i32
        %mul3A_117 = arith.muli %scan3A_115, %mul3A_116 : i32
        %get3A_118 = arith.index_cast %scan3A_87 : i32 to index
        %get3A_119 = arith.index_cast %mul3A_117 : i32 to index
        %get3A_120 = tpu.vector_load %arg7[%get3A_118, %get3A_119] {strides = array<i32>} : memref<32x1000xf32, #tpu.memory_space<vmem>>, vector<16xf32>,
        %exp3A_121 = math.exp %get3A_120 : vector<16xf32>
        %add3A_122 = arith.addf %add3A_112, %exp3A_121 : vector<16xf32>
        %add3A_123 = arith.addf %add3A_113, %get3A_120 : vector<16xf32>
        %scan3A_124 = arith.constant 59 : i32
        %scan3A_125 = arith.addi %scan3A_91, %scan3A_124 : i32
        %mul3A_126 = arith.constant 16 : i32
        %mul3A_127 = arith.muli %scan3A_125, %mul3A_126 : i32
        %get3A_128 = arith.index_cast %scan3A_87 : i32 to index
        %get3A_129 = arith.index_cast %mul3A_127 : i32 to index
        %get3A_130 = tpu.vector_load %arg7[%get3A_128, %get3A_129] {strides = array<i32>} : memref<32x1000xf32, #tpu.memory_space<vmem>>, vector<16xf32>,
        %exp3A_131 = math.exp %get3A_130 : vector<16xf32>
        %add3A_132 = arith.addf %add3A_122, %exp3A_131 : vector<16xf32>
        %add3A_133 = arith.addf %add3A_123, %get3A_130 : vector<16xf32>
        %scan3A_134 = arith.constant 60 : i32
        %scan3A_135 = arith.addi %scan3A_91, %scan3A_134 : i32
        %mul3A_136 = arith.constant 16 : i32
        %mul3A_137 = arith.muli %scan3A_135, %mul3A_136 : i32
        %get3A_138 = arith.index_cast %scan3A_87 : i32 to index
        %get3A_139 = arith.index_cast %mul3A_137 : i32 to index
        %get3A_140 = tpu.vector_load %arg7[%get3A_138, %get3A_139] {strides = array<i32>} : memref<32x1000xf32, #tpu.memory_space<vmem>>, vector<16xf32>,
        %exp3A_141 = math.exp %get3A_140 : vector<16xf32>
        %add3A_142 = arith.addf %add3A_132, %exp3A_141 : vector<16xf32>
        %add3A_143 = arith.addf %add3A_133, %get3A_140 : vector<16xf32>
        %scan3A_144 = arith.constant 61 : i32
        %scan3A_145 = arith.addi %scan3A_91, %scan3A_144 : i32
        %mul3A_146 = arith.constant 16 : i32
        %mul3A_147 = arith.muli %scan3A_145, %mul3A_146 : i32
        %get3A_148 = arith.index_cast %scan3A_87 : i32 to index
        %get3A_149 = arith.index_cast %mul3A_147 : i32 to index
        %get3A_150 = tpu.vector_load %arg7[%get3A_148, %get3A_149] {strides = array<i32>} : memref<32x1000xf32, #tpu.memory_space<vmem>>, vector<16xf32>,
        %exp3A_151 = math.exp %get3A_150 : vector<16xf32>
        %add3A_152 = arith.addf %add3A_142, %exp3A_151 : vector<16xf32>
        %add3A_153 = arith.addf %add3A_143, %get3A_150 : vector<16xf32>
        %scan3A_154 = arith.constant 62 : i32
        %get3A_155 = arith.index_cast %scan3A_87 : i32 to index
        %get3A_156 = arith.constant 984 : index
        %get3A_157 = tpu.vector_load %arg7[%get3A_155, %get3A_156] {strides = array<i32>} : memref<32x1000xf32, #tpu.memory_space<vmem>>, vector<16xf32>,
        %jit3A = arith.constant 0.000000e+00 : f32
        %broadcast_in_dim3A_158 = vector.broadcast %jit3A : f32 to vector<16xf32>
        %select_n3A = arith.select %ge3A_4, %get3A_157, %broadcast_in_dim3A_158 : vector<16xi1>, vector<16xf32>
        %add3A_159 = arith.addf %add3A_153, %select_n3A : vector<16xf32>
        %exp3A_160 = math.exp %get3A_157 : vector<16xf32>
        %jit3A_161 = arith.constant 0.000000e+00 : f32
        %broadcast_in_dim3A_162 = vector.broadcast %jit3A_161 : f32 to vector<16xf32>
        %select_n3A_163 = arith.select %ge3A_4, %exp3A_160, %broadcast_in_dim3A_162 : vector<16xi1>, vector<16xf32>
        %add3A_164 = arith.addf %add3A_152, %select_n3A_163 : vector<16xf32>
        %swap3A_165 = arith.index_cast %scan3A_87 : i32 to index
        %swap3A_166 = arith.constant 0 : index
        %swap3A_167 = tpu.vector_load %arg8[%swap3A_165, %swap3A_166] {strides = array<i32>} : memref<32x16xf32, #tpu.memory_space<vmem>>, vector<16xf32>,
        tpu.vector_store %arg8[%swap3A_165, %swap3A_166], %add3A_164 {strides = array<i32>} : memref<32x16xf32, #tpu.memory_space<vmem>>, vector<16xf32>,
        scf.yield %add3A_159 : vector<16xf32>
      }
      %scan3A_75 = arith.constant 32 : i32
      %mul3A_76 = arith.constant 192 : i32
      %mul3A_77 = arith.muli %add3A, %mul3A_76 : i32
      %mul3A_78 = arith.constant 32 : i32
      %mul3A_79 = arith.muli %add3A_69, %mul3A_78 : i32
      %add3A_80 = arith.addi %mul3A_77, %mul3A_79 : i32
      "tpu.region"() ({
        %run_scoped3A = tpu.sem_alloc : memref<!tpu.dma_semaphore, #tpu.memory_space<semaphore_mem>>
        %dma_start3A_87 = arith.constant 0 : i32
        %dma_start3A_88 = tpu.memref_slice %arg4[%add3A_80, %dma_start3A_87] : memref<6144x16xf32, #tpu.memory_space<hbm>> -> memref<32x16xf32, #tpu.memory_space<hbm>>
        %dma_start3A_89 = arith.constant 0 : i32
        %dma_start3A_90 = tpu.memref_slice %arg4[%add3A_80, %dma_start3A_89] : memref<6144x16xf32, #tpu.memory_space<hbm>> -> memref<32x16xf32, #tpu.memory_space<hbm>>
        tpu.enqueue_dma source(%arg8 : memref<32x16xf32, #tpu.memory_space<vmem>>) target(%dma_start3A_90 : memref<32x16xf32, #tpu.memory_space<hbm>>) target_semaphore(%run_scoped3A : memref<!tpu.dma_semaphore, #tpu.memory_space<semaphore_mem>>)
        %dma_wait3A_91 = arith.constant 0 : i32
        %dma_wait3A_92 = tpu.memref_slice %arg4[%add3A_80, %dma_wait3A_91] : memref<6144x16xf32, #tpu.memory_space<hbm>> -> memref<32x16xf32, #tpu.memory_space<hbm>>
        %dma_wait3A_93 = arith.constant 0 : i32
        %dma_wait3A_94 = tpu.memref_slice %arg4[%add3A_80, %dma_wait3A_93] : memref<6144x16xf32, #tpu.memory_space<hbm>> -> memref<32x16xf32, #tpu.memory_space<hbm>>
        tpu.wait_dma2 semaphore(%run_scoped3A : memref<!tpu.dma_semaphore, #tpu.memory_space<semaphore_mem>>) src(%arg8 : memref<32x16xf32, #tpu.memory_space<vmem>>) dst(%dma_wait3A_94 : memref<32x16xf32, #tpu.memory_space<hbm>>)
        tpu.yield
      }) : () -> ()
      %scan3A_81 = arith.constant 0 : i32
      %scan3A_82 = arith.constant 2 : i32
      %scan3A_83 = arith.addi %scan3A_81, %scan3A_82 : i32
      %scan3A_84 = arith.constant 1 : i32
      %scan3A_85 = scf.for %scan3A_87 = %scan3A_81 to %scan3A_83 step %scan3A_84 iter_args(%scan3A_88 = %scan3A_58) -> (vector<16xf32>)  : i32 {
        %iota3A_89 = tpu.iota {dimensions = array<i32: 0>} : vector<16xi32>
        %mul3A_90 = arith.constant 16 : i32
        %mul3A_91 = arith.muli %scan3A_87, %mul3A_90 : i32
        %add3A_92 = vector.broadcast %mul3A_91 : i32 to vector<16xi32>
        %add3A_93 = arith.addi %iota3A_89, %add3A_92 : vector<16xi32>
        %mul3A_94 = arith.constant 32 : i32
        %mul3A_95 = arith.muli %add3A_69, %mul3A_94 : i32
        %mul3A_96 = arith.constant 16 : i32
        %mul3A_97 = arith.muli %scan3A_87, %mul3A_96 : i32
        %add3A_98 = arith.addi %mul3A_95, %mul3A_97 : i32
        %get3A = arith.index_cast %add3A_98 : i32 to index
        %get3A_99 = tpu.vector_load %arg9[%get3A] {strides = array<i32>} : memref<192xi32, #tpu.memory_space<vmem>>, vector<16xi32>,
        %gather3A = tpu.vector_load_idx %arg7[%add3A_93, %get3A_99] : memref<32x1000xf32, #tpu.memory_space<vmem>>[vector<16xi32>, vector<16xi32>], vector<16xf32>,
        %add3A_100 = arith.addf %scan3A_88, %gather3A : vector<16xf32>
        scf.yield %add3A_100 : vector<16xf32>
      }
      %scan3A_86 = arith.constant 2 : i32
      scf.yield %scan3A_74, %scan3A_85 : vector<16xf32>, vector<16xf32>
    }
    %scan3A_15 = arith.constant 3 : i32
    %mul3A_16 = arith.constant 1.001001E-4 : f32
    %mul3A_17 = vector.broadcast %mul3A_16 : f32 to vector<16xf32>
    %mul3A_18 = arith.mulf %mul3A_17, %scan3A_14#0 : vector<16xf32>
    %mul3A_19 = arith.constant 0.899899899 : f32
    %mul3A_20 = vector.broadcast %mul3A_19 : f32 to vector<16xf32>
    %mul3A_21 = arith.mulf %mul3A_20, %scan3A_14#1 : vector<16xf32>
    %add3A_22 = arith.addf %mul3A_18, %mul3A_21 : vector<16xf32>
    %swap3A = arith.constant 0 : index
    %swap3A_23 = tpu.vector_load %arg10[%swap3A] {strides = array<i32>} : memref<16xf32, #tpu.memory_space<vmem>>, vector<16xf32>,
    tpu.vector_store %arg10[%swap3A], %add3A_22 {strides = array<i32>} : memref<16xf32, #tpu.memory_space<vmem>>, vector<16xf32>,
    "tpu.region"() ({
      %run_scoped3A = tpu.sem_alloc : memref<!tpu.dma_semaphore, #tpu.memory_space<semaphore_mem>>
      %dma_start3A_24 = arith.constant 0 : i32
      %dma_start3A_25 = tpu.memref_slice %arg5[%add3A, %dma_start3A_24] : memref<32x16xf32, #tpu.memory_space<hbm>> -> memref<1x16xf32, #tpu.memory_space<hbm>>
      %dma_start3A_26 = tpu.memref_squeeze %dma_start3A_25 : memref<1x16xf32, #tpu.memory_space<hbm>> -> memref<16xf32, #tpu.memory_space<hbm>>
      %dma_start3A_27 = arith.constant 0 : i32
      %dma_start3A_28 = tpu.memref_slice %arg5[%add3A, %dma_start3A_27] : memref<32x16xf32, #tpu.memory_space<hbm>> -> memref<1x16xf32, #tpu.memory_space<hbm>>
      %dma_start3A_29 = tpu.memref_squeeze %dma_start3A_28 : memref<1x16xf32, #tpu.memory_space<hbm>> -> memref<16xf32, #tpu.memory_space<hbm>>
      tpu.enqueue_dma source(%arg10 : memref<16xf32, #tpu.memory_space<vmem>>) target(%dma_start3A_29 : memref<16xf32, #tpu.memory_space<hbm>>) target_semaphore(%run_scoped3A : memref<!tpu.dma_semaphore, #tpu.memory_space<semaphore_mem>>)
      %dma_wait3A = arith.constant 0 : i32
      %dma_wait3A_30 = tpu.memref_slice %arg5[%add3A, %dma_wait3A] : memref<32x16xf32, #tpu.memory_space<hbm>> -> memref<1x16xf32, #tpu.memory_space<hbm>>
      %dma_wait3A_31 = tpu.memref_squeeze %dma_wait3A_30 : memref<1x16xf32, #tpu.memory_space<hbm>> -> memref<16xf32, #tpu.memory_space<hbm>>
      %dma_wait3A_32 = arith.constant 0 : i32
      %dma_wait3A_33 = tpu.memref_slice %arg5[%add3A, %dma_wait3A_32] : memref<32x16xf32, #tpu.memory_space<hbm>> -> memref<1x16xf32, #tpu.memory_space<hbm>>
      %dma_wait3A_34 = tpu.memref_squeeze %dma_wait3A_33 : memref<1x16xf32, #tpu.memory_space<hbm>> -> memref<16xf32, #tpu.memory_space<hbm>>
      tpu.wait_dma2 semaphore(%run_scoped3A : memref<!tpu.dma_semaphore, #tpu.memory_space<semaphore_mem>>) src(%arg10 : memref<16xf32, #tpu.memory_space<vmem>>) dst(%dma_wait3A_34 : memref<16xf32, #tpu.memory_space<hbm>>)
      tpu.yield
    }) : () -> ()
    return
  }
}

module attributes {stable_mosaic.version = 14 : i64} {
  func.func @_tc_body(%arg0: i32, %arg1: memref<512x1000xf32, #tpu.memory_space<vmem>>, %arg2: memref<512x1000xf32, #tpu.memory_space<vmem>>, %arg3: memref<1x1x512xi32, #tpu.memory_space<vmem>>, %arg4: memref<1x1x512xi32, #tpu.memory_space<vmem>>, %arg5: memref<1x1xf32, #tpu.memory_space<vmem>>) attributes {dimension_semantics = [#tpu.dimension_semantics<arbitrary>], iteration_bounds = array<i64: 10>, scalar_prefetch = 0 : i64, scratch_operands = 0 : i64, tpu.core_type = #tpu.core_type<tc>, window_params = [{transform_indices = @transform_0, window_bounds = array<i64: 512, 1000>}, {transform_indices = @transform_1, window_bounds = array<i64: 512, 1000>}, {transform_indices = @transform_2, window_bounds = array<i64: 1, 1, 512>}, {transform_indices = @transform_3, window_bounds = array<i64: 1, 1, 512>}, {pipeline_mode = #tpu.pipeline_mode<synchronous>, transform_indices = @transform_4, window_bounds = array<i64: 1, 1>}]} {
    %get3A = arith.constant 0 : index
    %get3A_0 = arith.constant 0 : index
    %get3A_1 = vector.load %arg1[%get3A, %get3A_0] : memref<512x1000xf32, #tpu.memory_space<vmem>>, vector<512x1000xf32>
    %exp3A = math.exp %get3A_1 : vector<512x1000xf32>
    %reduce_sum3A = arith.constant dense<0.000000e+00> : vector<512xf32>
    %reduce_sum3A_2 = vector.multi_reduction <add>, %exp3A, %reduce_sum3A [1] : vector<512x1000xf32> to vector<512xf32>
    %log3A = math.log %reduce_sum3A_2 : vector<512xf32>
    %get3A_3 = arith.constant 0 : index
    %get3A_4 = arith.constant 0 : index
    %get3A_5 = arith.constant 0 : index
    %get3A_6 = vector.load %arg3[%get3A_3, %get3A_4, %get3A_5] : memref<1x1x512xi32, #tpu.memory_space<vmem>>, vector<1x1x512xi32>
    %get3A_7 = vector.shape_cast %get3A_6 : vector<1x1x512xi32> to vector<512xi32>
    %iota3A = tpu.iota {dimensions = array<i32: 1>} : vector<512x1000xi32>
    %broadcast_in_dim3A = vector.shape_cast %get3A_7 : vector<512xi32> to vector<512x1xi32>
    %eq3A = vector.broadcast %broadcast_in_dim3A : vector<512x1xi32> to vector<512x1000xi32>
    %eq3A_8 = arith.cmpi eq, %iota3A, %eq3A : vector<512x1000xi32>
    %jit3A = arith.constant 0.899999976 : f32
    %jit3A_9 = arith.constant 1.001001E-4 : f32
    %broadcast_in_dim3A_10 = vector.broadcast %jit3A : f32 to vector<512x1000xf32>
    %broadcast_in_dim3A_11 = vector.broadcast %jit3A_9 : f32 to vector<512x1000xf32>
    %select_n3A = arith.select %eq3A_8, %broadcast_in_dim3A_10, %broadcast_in_dim3A_11 : vector<512x1000xi1>, vector<512x1000xf32>
    %reduce_sum3A_12 = vector.shape_cast %log3A : vector<512xf32> to vector<1x512xf32>
    %reduce_sum3A_13 = arith.constant dense<0.000000e+00> : vector<1xf32>
    %reduce_sum3A_14 = vector.multi_reduction <add>, %reduce_sum3A_12, %reduce_sum3A_13 [1] : vector<1x512xf32> to vector<1xf32>
    %reduce_sum3A_15 = vector.shape_cast %reduce_sum3A_14 : vector<1xf32> to vector<1x1xf32>
    %reduce_sum3A_16 = vector.extract %reduce_sum3A_15[0, 0] : f32 from vector<1x1xf32>
    %mul3A = arith.mulf %get3A_1, %select_n3A : vector<512x1000xf32>
    %reduce_sum3A_17 = vector.shape_cast %mul3A : vector<512x1000xf32> to vector<1x512x1000xf32>
    %reduce_sum3A_18 = arith.constant dense<0.000000e+00> : vector<1xf32>
    %reduce_sum3A_19 = vector.multi_reduction <add>, %reduce_sum3A_17, %reduce_sum3A_18 [1, 2] : vector<1x512x1000xf32> to vector<1xf32>
    %reduce_sum3A_20 = vector.shape_cast %reduce_sum3A_19 : vector<1xf32> to vector<1x1x1xf32>
    %reduce_sum3A_21 = vector.extract %reduce_sum3A_20[0, 0, 0] : f32 from vector<1x1x1xf32>
    %sub3A = arith.subf %reduce_sum3A_16, %reduce_sum3A_21 : f32
    %add3A = arith.constant 0.000000e+00 : f32
    %add3A_22 = arith.addf %add3A, %sub3A : f32
    %get3A_23 = arith.constant 0 : index
    %get3A_24 = arith.constant 0 : index
    %get3A_25 = vector.load %arg2[%get3A_23, %get3A_24] : memref<512x1000xf32, #tpu.memory_space<vmem>>, vector<512x1000xf32>
    %exp3A_26 = math.exp %get3A_25 : vector<512x1000xf32>
    %reduce_sum3A_27 = arith.constant dense<0.000000e+00> : vector<512xf32>
    %reduce_sum3A_28 = vector.multi_reduction <add>, %exp3A_26, %reduce_sum3A_27 [1] : vector<512x1000xf32> to vector<512xf32>
    %log3A_29 = math.log %reduce_sum3A_28 : vector<512xf32>
    %get3A_30 = arith.constant 0 : index
    %get3A_31 = arith.constant 0 : index
    %get3A_32 = arith.constant 0 : index
    %get3A_33 = vector.load %arg4[%get3A_30, %get3A_31, %get3A_32] : memref<1x1x512xi32, #tpu.memory_space<vmem>>, vector<1x1x512xi32>
    %get3A_34 = vector.shape_cast %get3A_33 : vector<1x1x512xi32> to vector<512xi32>
    %iota3A_35 = tpu.iota {dimensions = array<i32: 1>} : vector<512x1000xi32>
    %broadcast_in_dim3A_36 = vector.shape_cast %get3A_34 : vector<512xi32> to vector<512x1xi32>
    %eq3A_37 = vector.broadcast %broadcast_in_dim3A_36 : vector<512x1xi32> to vector<512x1000xi32>
    %eq3A_38 = arith.cmpi eq, %iota3A_35, %eq3A_37 : vector<512x1000xi32>
    %jit3A_39 = arith.constant 0.899999976 : f32
    %jit3A_40 = arith.constant 1.001001E-4 : f32
    %broadcast_in_dim3A_41 = vector.broadcast %jit3A_39 : f32 to vector<512x1000xf32>
    %broadcast_in_dim3A_42 = vector.broadcast %jit3A_40 : f32 to vector<512x1000xf32>
    %select_n3A_43 = arith.select %eq3A_38, %broadcast_in_dim3A_41, %broadcast_in_dim3A_42 : vector<512x1000xi1>, vector<512x1000xf32>
    %reduce_sum3A_44 = vector.shape_cast %log3A_29 : vector<512xf32> to vector<1x512xf32>
    %reduce_sum3A_45 = arith.constant dense<0.000000e+00> : vector<1xf32>
    %reduce_sum3A_46 = vector.multi_reduction <add>, %reduce_sum3A_44, %reduce_sum3A_45 [1] : vector<1x512xf32> to vector<1xf32>
    %reduce_sum3A_47 = vector.shape_cast %reduce_sum3A_46 : vector<1xf32> to vector<1x1xf32>
    %reduce_sum3A_48 = vector.extract %reduce_sum3A_47[0, 0] : f32 from vector<1x1xf32>
    %mul3A_49 = arith.mulf %get3A_25, %select_n3A_43 : vector<512x1000xf32>
    %reduce_sum3A_50 = vector.shape_cast %mul3A_49 : vector<512x1000xf32> to vector<1x512x1000xf32>
    %reduce_sum3A_51 = arith.constant dense<0.000000e+00> : vector<1xf32>
    %reduce_sum3A_52 = vector.multi_reduction <add>, %reduce_sum3A_50, %reduce_sum3A_51 [1, 2] : vector<1x512x1000xf32> to vector<1xf32>
    %reduce_sum3A_53 = vector.shape_cast %reduce_sum3A_52 : vector<1xf32> to vector<1x1x1xf32>
    %reduce_sum3A_54 = vector.extract %reduce_sum3A_53[0, 0, 0] : f32 from vector<1x1x1xf32>
    %sub3A_55 = arith.subf %reduce_sum3A_48, %reduce_sum3A_54 : f32
    %add3A_56 = arith.addf %add3A_22, %sub3A_55 : f32
    %eq3A_57 = arith.constant 0 : i32
    %eq3A_58 = arith.cmpi eq, %arg0, %eq3A_57 : i32
    %convert_element_type3A = arith.extui %eq3A_58 : i1 to i32
    %cond3A = arith.constant 0 : i32
    %cond3A_59 = arith.cmpi ne, %convert_element_type3A, %cond3A : i32
    scf.if %cond3A_59 {
      %broadcast_in_dim3A_66 = arith.constant -16642.1855 : f32
      %broadcast_in_dim3A_67 = vector.broadcast %broadcast_in_dim3A_66 : f32 to vector<1x1xf32>
      %swap3A_68 = arith.constant 0 : index
      %swap3A_69 = arith.constant 0 : index
      %swap3A_70 = vector.load %arg5[%swap3A_68, %swap3A_69] : memref<1x1xf32, #tpu.memory_space<vmem>>, vector<1x1xf32>
      tpu.vector_store %arg5[%swap3A_68, %swap3A_69], %broadcast_in_dim3A_67 {strides = array<i32>} : memref<1x1xf32, #tpu.memory_space<vmem>>, vector<1x1xf32>,
    } else {
    }
    %get3A_60 = arith.constant 0 : index
    %get3A_61 = arith.constant 0 : index
    %get3A_62 = vector.load %arg5[%get3A_60, %get3A_61] : memref<1x1xf32, #tpu.memory_space<vmem>>, vector<1x1xf32>
    %reshape3A = vector.broadcast %add3A_56 : f32 to vector<1x1xf32>
    %add3A_63 = arith.addf %get3A_62, %reshape3A : vector<1x1xf32>
    %swap3A = arith.constant 0 : index
    %swap3A_64 = arith.constant 0 : index
    %swap3A_65 = vector.load %arg5[%swap3A, %swap3A_64] : memref<1x1xf32, #tpu.memory_space<vmem>>, vector<1x1xf32>
    tpu.vector_store %arg5[%swap3A, %swap3A_64], %add3A_63 {strides = array<i32>} : memref<1x1xf32, #tpu.memory_space<vmem>>, vector<1x1xf32>,
    return
  }
  func.func @transform_0(%arg0: i32) -> (i32, i32) {
    %c0_i32 = arith.constant 0 : i32
    %c0_i32_0 = arith.constant 0 : i32
    return %arg0, %c0_i32 : i32, i32
  }
  func.func @transform_1(%arg0: i32) -> (i32, i32) {
    %add3A = arith.constant 10 : i32
    %add3A_0 = arith.addi %arg0, %add3A : i32
    %c0_i32 = arith.constant 0 : i32
    %c0_i32_1 = arith.constant 0 : i32
    return %add3A_0, %c0_i32 : i32, i32
  }
  func.func @transform_2(%arg0: i32) -> (i32, i32, i32) {
    %c0_i32 = arith.constant 0 : i32
    %c0_i32_0 = arith.constant 0 : i32
    %c0_i32_1 = arith.constant 0 : i32
    return %arg0, %c0_i32, %c0_i32_0 : i32, i32, i32
  }
  func.func @transform_3(%arg0: i32) -> (i32, i32, i32) {
    %add3A = arith.constant 10 : i32
    %add3A_0 = arith.addi %arg0, %add3A : i32
    %c0_i32 = arith.constant 0 : i32
    %c0_i32_1 = arith.constant 0 : i32
    %c0_i32_2 = arith.constant 0 : i32
    return %add3A_0, %c0_i32, %c0_i32_1 : i32, i32, i32
  }
  func.func @transform_4(%arg0: i32) -> (i32, i32) {
    %c0_i32 = arith.constant 0 : i32
    %c0_i32_0 = arith.constant 0 : i32
    %c0_i32_1 = arith.constant 0 : i32
    return %c0_i32, %c0_i32_0 : i32, i32
  }
}

module attributes {stable_mosaic.version = 14 : i64} {
  func.func @_epi_body(%arg0: memref<1x1xf32, #tpu.memory_space<vmem>>, %arg1: memref<6144x16xf32, #tpu.memory_space<vmem>>, %arg2: memref<32x16xf32, #tpu.memory_space<vmem>>, %arg3: memref<1x1xf32, #tpu.memory_space<vmem>>) attributes {dimension_semantics = [], scalar_prefetch = 0 : i64, scratch_operands = 0 : i64, tpu.core_type = #tpu.core_type<tc>} {
    %get3A = arith.constant 0 : index
    %get3A_0 = arith.constant 0 : index
    %get3A_1 = vector.load %arg1[%get3A, %get3A_0] : memref<6144x16xf32, #tpu.memory_space<vmem>>, vector<6144x16xf32>
    %reduce_sum3A = arith.constant dense<0.000000e+00> : vector<6144xf32>
    %reduce_sum3A_2 = vector.multi_reduction <add>, %get3A_1, %reduce_sum3A [1] : vector<6144x16xf32> to vector<6144xf32>
    %log3A = math.log %reduce_sum3A_2 : vector<6144xf32>
    %reduce_sum3A_3 = vector.shape_cast %log3A : vector<6144xf32> to vector<1x6144xf32>
    %reduce_sum3A_4 = arith.constant dense<0.000000e+00> : vector<1xf32>
    %reduce_sum3A_5 = vector.multi_reduction <add>, %reduce_sum3A_3, %reduce_sum3A_4 [1] : vector<1x6144xf32> to vector<1xf32>
    %reduce_sum3A_6 = vector.shape_cast %reduce_sum3A_5 : vector<1xf32> to vector<1x1xf32>
    %reduce_sum3A_7 = vector.extract %reduce_sum3A_6[0, 0] : f32 from vector<1x1xf32>
    %get3A_8 = arith.constant 0 : index
    %get3A_9 = arith.constant 0 : index
    %get3A_10 = vector.load %arg2[%get3A_8, %get3A_9] : memref<32x16xf32, #tpu.memory_space<vmem>>, vector<32x16xf32>
    %reduce_sum3A_11 = vector.shape_cast %get3A_10 : vector<32x16xf32> to vector<1x32x16xf32>
    %reduce_sum3A_12 = arith.constant dense<0.000000e+00> : vector<1xf32>
    %reduce_sum3A_13 = vector.multi_reduction <add>, %reduce_sum3A_11, %reduce_sum3A_12 [1, 2] : vector<1x32x16xf32> to vector<1xf32>
    %reduce_sum3A_14 = vector.shape_cast %reduce_sum3A_13 : vector<1xf32> to vector<1x1x1xf32>
    %reduce_sum3A_15 = vector.extract %reduce_sum3A_14[0, 0, 0] : f32 from vector<1x1x1xf32>
    %get3A_16 = arith.constant 0 : index
    %get3A_17 = arith.constant 0 : index
    %get3A_18 = vector.load %arg0[%get3A_16, %get3A_17] : memref<1x1xf32, #tpu.memory_space<vmem>>, vector<1x1xf32>
    %get3A_19 = vector.extract %get3A_18[0, 0] : f32 from vector<1x1xf32>
    %add3A = arith.addf %get3A_19, %reduce_sum3A_7 : f32
    %sub3A = arith.subf %add3A, %reduce_sum3A_15 : f32
    %reshape3A = vector.broadcast %sub3A : f32 to vector<1x1xf32>
    %swap3A = arith.constant 0 : index
    %swap3A_20 = arith.constant 0 : index
    %swap3A_21 = vector.load %arg3[%swap3A, %swap3A_20] : memref<1x1xf32, #tpu.memory_space<vmem>>, vector<1x1xf32>
    tpu.vector_store %arg3[%swap3A, %swap3A_20], %reshape3A {strides = array<i32>} : memref<1x1xf32, #tpu.memory_space<vmem>>, vector<1x1xf32>,
    return
  }
}

</mosaic_0001>

<sc_bundles>
// kernel: kernel.5.cloned.1.call-start
scs
__scs_entry_jumppad:
0x0: {  	(pc) =	sbr.rel $0x88, $3  }
0x1: {  	(tag) =	ssettag $0x0;
	lr =	simm.s32 $0x1  }
0x2: {  	[smem:$0x3F9F] =	sst lr;
	_ =	strace $0xD0000000  }
0x3: {  	_ = 	snop  }
0x4: {  	_ = 	snop  }
0x5: {  	_ = 	snop  }
0x6: {  	_ = 	snop  }
0x7: {  	_ = 	snop  }
__scs_overlays_trampoline_lowered:
0x8: {  	[smem:$0x3FAE] =	sst s0  }
0x9: {  	[smem:$0x3FAF] =	sst s1  }
0xa: {  	[smem:$0x3FB0] =	sst s2  }
0xb: {  	[smem:$0x3FB1] =	sst s3  }
0xc: {  	[smem:$0x3FB2] =	sst s4  }
0xd: {  	[smem:$0x3FB3] =	sst s5  }
0xe: {  	[smem:$0x3FB4] =	sst s6  }
0xf: {  	[smem:$0x3FB5] =	sst s7  }
0x10: {  	[smem:$0x3FB6] =	sst s8  }
0x11: {  	[smem:$0x3FB7] =	sst s9;
	s0 =	simm.s32 @!p0 $0x0  }
0x12: {  	s1 =	sld [smem:$0x3F9D];
	s0 =	simm.s32 @p0 $0x1  }
0x13: {  	[smem:$0x3FB8] =	sst s0;
	s0 =	simm.s32 @!p1 $0x0  }
0x14: {  	s2 =	sld [smem:$0x3F9C];
	s0 =	simm.s32 @p1 $0x1  }
0x15: {  	[smem:$0x3FB9] =	sst s0;
	s0 =	simm.s32 @!p2 $0x0  }
0x16: {  	s3 =	sld [smem:$0x3FDB];
	s0 =	simm.s32 @p2 $0x1  }
0x17: {  	s4 =	simm.s32 $0x1BF5;
	[smem:$0x3FBB] =	sst s0  }
0x18: {  	s0 =	sld [smem:$0x3F9E];
	_ =	swait.ge [sflag:s4], $0x0  }
0x19: {  	s7 =	sld [smem:$0x3F9F]  }
0x1a: {  	s8 =	sadd.s32 $0xFFFFE003, lr  }
0x1b: {  	s9 =	sadd.s32 $0xFFFFFEF7, lr;
	s5 =	simm.s32 $0xFFFFFFFF;
	p2 =	slt.u32 s8, $0xFFFFF086  }
0x1c: {  	p1 =	slt.u32 s9, $0xF7A;
	s5 =	simm.s32 @!p2 $0x0  }
0x1d: {  	s5 =	simm.s32 @p1 $0x1;
	p0 =	seq.s32 s7, s2  }
0x1e: {  	s7 =	smul.u32 @!p0 $0xF7A, s2;
	p2 =	seq.s32 @!p0 s5, $0x0  }
0x1f: {  	s9 =	smul.u32 $0xF7A, s1;
	s8 =	simm.s32 @!p0 $0x1BF5;
	p2 =	por !p2, p0  }
0x20: {  	[sflag:s8] =	ssyncset.s32 @!p0 $0xFFFFF086;
	s6 =	sadd.s32 @!p0 s3, s7;
	s7 =	simm.s32 @!p0 $0x108  }
0x21: {  	s3 =	sadd.s32 s3, s9;
	s6 =	sadd.s32 @!p0 $0x88, s6;
	s7 =	simm.s32 @p2 $0x1082  }
0x22: {  	[simem:s7], [sflag:s8] =	dma.local @!p0 [hbm:s6], $0xF7A  }
0x23: {  	s9 =	sor.u32 $0xD0000000, s2;
	s6 =	simm.s32 $0x108;
	_ =	swait.ge @!p0 [sflag:s8], $0x0  }
0x24: {  	s3 =	sadd.s32 $0x88, s3;
	s6 =	simm.s32 @!p1 $0x1082;
	[sflag:s4] =	ssyncset.s32 $0xFFFFF086  }
0x25: {  	[simem:s6], [sflag:s4] =	dma.local [hbm:s3], $0xF7A  }
0x26: {  	[smem:$0x3F9F] =	sst s1;
	(tag) =	ssettag s2;
	_ =	strace s9  }
0x27: {  	s1 =	sld [smem:$0x3FAF]  }
0x28: {  	s2 =	sld [smem:$0x3FB0]  }
0x29: {  	s4 =	sld [smem:$0x3FB2]  }
0x2a: {  	p0 =	seq.s32 s5, $0x0;
	s5 =	sld [smem:$0x3FB3]  }
0x2b: {  	s6 =	sld [smem:$0x3FB4]  }
0x2c: {  	s7 =	sld [smem:$0x3FB5]  }
0x2d: {  	s3 =	simm.s32 $0x108;
	s8 =	sld [smem:$0x3FB6]  }
0x2e: {  	s3 =	simm.s32 @!p0 $0x1082;
	s9 =	sld [smem:$0x3FB7]  }
0x2f: {  	lr =	sadd.s32 s0, s3;
	s0 =	sld [smem:$0x3FAE]  }
0x30: {  	s3 =	sld [smem:$0x3FB1]  }
0x31: {  	[smem:$0x3FBA] =	sst s10  }
0x32: {  	s10 =	sld [smem:$0x3FB8];
	_ =	sdelay $0x3  }
0x33: {  	p0 =	seq.s32 s10, $0x1;
	s10 =	sld [smem:$0x3FBA];
	_ =	sdelay $0x3  }
0x34: {  	[smem:$0x3FBA] =	sst s10  }
0x35: {  	s10 =	sld [smem:$0x3FB9];
	_ =	sdelay $0x3  }
0x36: {  	p1 =	seq.s32 s10, $0x1;
	s10 =	sld [smem:$0x3FBA];
	_ =	sdelay $0x3  }
0x37: {  	[smem:$0x3FBA] =	sst s10  }
0x38: {  	s10 =	sld [smem:$0x3FBB]  }
0x39: {  	_ = 	snop;
	(pc) =	sbr.ind lr, $3  }
0x3a: {  	_ = 	snop  }
0x3b: {  	_ = 	snop  }
0x3c: {  	p2 =	seq.s32 s10, $0x1;
	s10 =	sld [smem:$0x3FBA]  }
0x3d: {  	_ =	shalt  }
0x3e: {  	_ =	shalt  }
0x3f: {  	_ =	shalt  }
0x40: {  	_ =	shalt  }
0x41: {  	_ =	shalt  }
0x42: {  	_ =	shalt  }
0x43: {  	_ =	shalt  }
0x44: {  	_ =	shalt  }
0x45: {  	_ =	shalt  }
0x46: {  	_ =	shalt  }
0x47: {  	_ =	shalt  }
0x48: {  	_ =	shalt  }
0x49: {  	_ =	shalt  }
0x4a: {  	_ =	shalt  }
0x4b: {  	_ =	shalt  }
0x4c: {  	_ =	shalt  }
0x4d: {  	_ =	shalt  }
0x4e: {  	_ =	shalt  }
0x4f: {  	_ =	shalt  }
0x50: {  	_ =	shalt  }
0x51: {  	_ =	shalt  }
0x52: {  	_ =	shalt  }
0x53: {  	_ =	shalt  }
0x54: {  	_ =	shalt  }
0x55: {  	_ =	shalt  }
0x56: {  	_ =	shalt  }
0x57: {  	_ =	shalt  }
0x58: {  	_ =	shalt  }
0x59: {  	_ =	shalt  }
0x5a: {  	_ =	shalt  }
0x5b: {  	_ =	shalt  }
0x5c: {  	_ =	shalt  }
0x5d: {  	_ =	shalt  }
0x5e: {  	_ =	shalt  }
0x5f: {  	_ =	shalt  }
0x60: {  	_ =	shalt  }
0x61: {  	_ =	shalt  }
0x62: {  	_ =	shalt  }
0x63: {  	_ =	shalt  }
0x64: {  	_ =	shalt  }
0x65: {  	_ =	shalt  }
0x66: {  	_ =	shalt  }
0x67: {  	_ =	shalt  }
0x68: {  	_ =	shalt  }
0x69: {  	_ =	shalt  }
0x6a: {  	_ =	shalt  }
0x6b: {  	_ =	shalt  }
0x6c: {  	_ =	shalt  }
0x6d: {  	_ =	shalt  }
0x6e: {  	_ =	shalt  }
0x6f: {  	_ =	shalt  }
0x70: {  	_ =	shalt  }
0x71: {  	_ =	shalt  }
0x72: {  	_ =	shalt  }
0x73: {  	_ =	shalt  }
0x74: {  	_ =	shalt  }
0x75: {  	_ =	shalt  }
0x76: {  	_ =	shalt  }
0x77: {  	_ =	shalt  }
0x78: {  	_ =	shalt  }
0x79: {  	_ =	shalt  }
0x7a: {  	_ =	shalt  }
0x7b: {  	_ =	shalt  }
0x7c: {  	_ =	shalt  }
0x7d: {  	_ =	shalt  }
0x7e: {  	_ =	shalt  }
0x7f: {  	_ =	shalt  }
0x80: {  	_ =	shalt  }
0x81: {  	_ =	shalt  }
0x82: {  	_ =	shalt  }
0x83: {  	_ =	shalt  }
0x84: {  	_ =	shalt  }
0x85: {  	_ =	shalt  }
0x86: {  	_ =	shalt  }
0x87: {  	_ =	shalt  }
.Lfunc_end0:
.L_simem_size_0:
called_computation_lowered:
.L_overlay_start_0:
0x88: {  	s2 =	sld [smem:$0x3FD9]  }
0x89: {  	s3 =	sld [smem:$0x3FFE];
	_ =	sdelay $0x1  }
0x8a: {  	s1 =	srdreg.scid  }
0x8b: {  	s0 =	sand.u32 $0x1, s1  }
0x8c: {  	s16 =	sshll.u32 s0, $0xA;
	s2 =	sadd.s32 s3, s2  }
0x8d: {  	s2 =	sadd.s32 s2, s16  }
0x8e: {  	[smem:$0x3FC6] =	sst s2  }
0x8f: {  	_ = 	snop  }
0x90: {  	(tm) =	ssettm $0x1  }
0x91: {  	s17 =	sld [smem:$0x3FFB];
	_ =	sdelay $0x3  }
0x92: {  	_ =	strace s17  }
0x93: {  	s2 =	sld [smem:$0x3FFC];
	_ =	sdelay $0x3  }
0x94: {  	_ =	strace s2  }
0x95: {  	s2 =	sld [smem:$0x3FFD];
	_ =	sdelay $0x3  }
0x96: {  	_ =	strace s2  }
0x97: {  	_ =	strace $0x8FFFFFFF  }
0x98: {  	s18 =	sld [smem:$0x3FDB];
	_ =	sdelay $0x1  }
0x99: {  	s19 =	simm.s32 $_scs_section_size  }
0x9a: {  	s4 =	simm.s32 $_size__tile_overlayer_lowered;
	s5 =	simm.s32 $_tile_overlayer_lowered  }
0x9b: {  	s22 =	simm.s32 $0x1BFF;
	s21 =	sshll.u32 s5, $0x1;
	s2 =	sadd.s32 s19, s18  }
0x9c: {  	s6 =	simm.s32 $0x0;
	s20 =	sshll.u32 s4, $0x1;
	s4 =	sadd.s32 s21, s2  }
0x9d: {  	[timem:s6], [sflag:s22] =	dma.local [hbm:s4], s20  }
0x9e: {  	_ =	swait.ge [sflag:s22], s20  }
0x9f: {  	s3 =	ssub.s32 $0x0, s20;
	[sflag:s22] =	ssyncset.done $0x0  }
0xa0: {  	[sflag:s22] =	ssyncadd.s32 s3;
	_ =	sdelay $0x1  }
0xa1: {  	s23 =	simm.s32 $0x1B8B  }
0xa2: {  	_ =	swait.ge [sflag:s23], $0x1  }
0xa3: {  	[sflag:s23] =	ssyncset.done $0x0  }
0xa4: {  	s25 =	simm.s32 $0x1B8E;
	s24 =	sld [smem:$0x3FFE];
	[sflag:s23] =	ssyncadd.s32 $0xFFFFFFFF  }
0xa5: {  	s26 =	simm.s32 $execute0_lowered;
	[smem:$0x3FD2] =	sst s25  }
0xa6: {  	s4 =	sshll.u32 s26, $0x1;
	_ =	strace $0x80000046;
	[dreg:$0x1] =	wrdreg $0xFFFFFFFF  }
0xa7: {  	s28 =	simm.s32 $_size_execute0_lowered;
	s2 =	sadd.s32 s2, s4;
	[dreg:$0x0] =	wrdreg $0x0  }
0xa8: {  	s4 =	sshll.u32 s28, $0x1;
	[dreg:$0x2] =	wrdreg s2  }
0xa9: {  	[dreg:$0x3] =	wrdreg s4  }
0xaa: {  	[dreg:$0x4] =	wrdreg $0xC0  }
0xab: {  	_ =	task [dreg:s6], $0x5FFFF  }
0xac: {  	[dreg:$0x1] =	wrdreg $0xFFFFFFFF  }
0xad: {  	[dreg:$0x0] =	wrdreg $0x60  }
0xae: {  	[dreg:$0x2] =	wrdreg s24  }
0xaf: {  	[dreg:$0x3] =	wrdreg $0x9  }
0xb0: {  	_ =	task.clear_ibuf [dreg:s6], $0x4FFFF;
	_ =	strace $0x90000046  }
0xb1: {  	s29 =	simm.s32 $0x9;
	_ =	strace $0x80000048  }
0xb2: {  	_ =	swait.ge [sflag:s29], $0x1  }
0xb3: {  	[sflag:s29] =	ssyncadd.s32 $0xFFFFFFFF  }
0xb4: {  	_ =	strace $0x90000048  }
0xb5: {  	_ =	sfence  }
0xb6: {  	s30 =	sld [smem:$0x0];
	_ =	sdelay $0x2  }
0xb7: {  	s31 =	sshll.u32 s1, $0xD;
	s1 =	sshrl.u32 s1, $0x2  }
0xb8: {  	s3 =	sand.u32 $0x4000, s31;
	s1 =	sadd.s32 s1, s30  }
0xb9: {  	s0 =	sor.u32 s3, s0;
	s1 =	sshll.u32 s1, $0x11  }
0xba: {  	s0 =	sor.u32 s1, s0  }
0xbb: {  	s0 =	sadd.s32 $0x8F2B, s0  }
0xbc: {  	[sflag:s0] =	ssyncadd.remote.s32 $0x1  }
0xbd: {  	_ =	sfence.sel $0xFFFF  }
0xbe: {  	[dreg:$0x0] =	wrdreg $0xFFFFFFFF;
	(pc) =	sbr.abs _section_cstart, $3  }
0xbf: {  	[dreg:$0x1] =	wrdreg $0xFFFFFFFF  }
0xc0: {  	_ =	task.clear_ibuf [dreg:s6], $0x2FFFF;
	_ =	strace $0x9FFFFFFF  }
0xc1: {  	(tm) =	ssettm $0x7FFFFFFF  }
tec
execute0_lowered:
.L_overlay_start_1:
0x0: {  	(tag) =	ssettag $0x1  }
0x1: {  	v0 =	vimm.s32 $0x2380  }
0x2: {  	vm0 =	vcmask $0x300;
	v1 =	vimm.s32 $0x6380;
	vm1 =	vcmask $0x704  }
0x3: {  	vm2 =	vcmask $0x3B38;
	v0 =	vsel vm0, $0x0, v0;
	v1 =	vsel vm0, $0x4000, v1  }
0x4: {  	vm0 =	vcmask $0xB08;
	v0 =	vsel vm1, $0x80, v0;
	v1 =	vsel vm1, $0x4080, v1  }
0x5: {  	vm1 =	vcmask $0xF0C;
	v0 =	vsel vm0, $0x100, v0;
	v1 =	vsel vm0, $0x4100, v1  }
0x6: {  	s1 =	srdreg.scid;
	vm0 =	vcmask $0x1310;
	v0 =	vsel vm1, $0x180, v0;
	v1 =	vsel vm1, $0x4180, v1  }
0x7: {  	s0 =	stileid.u32;
	s6 =	rddreg [dreg:$0x0];
	s2 =	simm.s32 $0x0;
	vm1 =	vcmask $0x1714;
	v0 =	vsel vm0, $0x200, v0;
	v1 =	vsel vm0, $0x4200, v1  }
0x8: {  	s12 =	simm.s32 $0x3;
	s13 =	simm.s32 $0x8000;
	s14 =	simm.s32 $0x1;
	vm0 =	vcmask $0x1B18;
	v0 =	vsel vm1, $0x280, v0;
	v1 =	vsel vm1, $0x4280, v1  }
0x9: {  	s15 =	simm.s32 $0x10000;
	s16 =	simm.s32 $0x2;
	s17 =	simm.s32 $0x11100;
	vm1 =	vcmask $0x1F1C;
	v0 =	vsel vm0, $0x300, v0;
	v1 =	vsel vm0, $0x4300, v1  }
0xa: {  	s18 =	simm.s32 $0x0;
	s7 =	sand.u32 $0x1, s1;
	s3 =	sshll.u32 s0, $0x1;
	vm0 =	vcmask $0x2320;
	v0 =	vsel vm1, $0x380, v0;
	v1 =	vsel vm1, $0x4380, v1  }
0xb: {  	[smem:$0x7FF] =	sst s2;
	s4 =	sadd.s32 $0x200E00, s6;
	s8 =	sor.u32 s7, s3;
	vm1 =	vcmask $0x2724;
	v0 =	vsel vm0, $0x2000, v0;
	v1 =	vsel vm0, $0x6000, v1  }
0xc: {  	s1 =	rddreg [dreg:$0x1];
	_ =	strace $0x80000047;
	s3 =	smul.u32 $0xC0, s8;
	vm0 =	vcmask $0x2B28;
	v0 =	vsel vm1, $0x2080, v0;
	v1 =	vsel vm1, $0x6080, v1  }
0xd: {  	s7 =	ssub.s32 $0x2, s7;
	s10 =	sshll.u32 s8, $0x4;
	s8 =	smul.u32 $0x6000, s8;
	vm1 =	vcmask $0x2F2C;
	v0 =	vsel vm0, $0x2100, v0;
	v1 =	vsel vm0, $0x6100, v1  }
0xe: {  	s11 =	sshrl.u32 s7, $0x1;
	s10 =	sadd.s32 s10, s6;
	s5 =	sshrl.u32 s3, $0x3;
	vm0 =	vcmask $0x3330;
	v0 =	vsel vm1, $0x2180, v0;
	v1 =	vsel vm1, $0x6180, v1  }
0xf: {  	s11 =	ssub.s32 s7, s11;
	s7 =	sadd.s32 s4, s8;
	s9 =	sadd.s32 s5, s6;
	vm1 =	vcmask $0x3734;
	v0 =	vsel vm0, $0x2200, v0;
	v1 =	vsel vm0, $0x6200, v1  }
0x10: {  	s8 =	sadd.s32 $0x40, s3;
	s5 =	sadd.s32 $0x2C1200, s6;
	s6 =	sadd.s32 $0x2C0E00, s9;
	v0 =	vsel vm1, $0x2280, v0;
	v1 =	vsel vm1, $0x6280, v1  }
0x11: {  	s9 =	sadd.s32 $0x2D9200, s10;
	s10 =	smax.u32 s11, $0x1;
	s11 =	simm.s32 $0x11000;
	vm0 =	vmmov $0xff;
	v0 =	vsel vm2, $0x2300, v0;
	v1 =	vsel vm2, $0x6300, v1  }
.LBB2_1:
0x12: {  	[tilespmem:s11], [sflag:$0x3] =	stream.linear.gather [hbm4b:s6+s2], $0xC0, $0x38;
	[tilespmem:$0x11180] =	vst v63  }
0x13: {  	_ =	swait.ge [sflag:s12], $0xC0  }
0x14: {  	[sflag:s12] =	ssyncset.done $0x0  }
0x15: {  	s19 =	simm.s32 $0x0;
	[sflag:s12] =	ssyncadd.s32 $0xFFFFFF40  }
0x16: {  	v2 =	vimm.f32 $0.0e+00;
	v3 =	vimm.f32 $0.0e+00;
	[tilespmem:s2], [sflag:$0x1] =	stream.linear.gather [hbm4b:s7+s2], $0x8000, $0x38;
	[tilespmem:$0x11180] =	vst v63  }
.LBB2_2:
0x17: {  	s22 =	sshll.u32 s19, $0x6  }
0x18: {  	s20 =	sor.u32 $0x20, s22  }
0x19: {  	s21 =	sadd.s32 s3, s20  }
0x1a: {  	s23 =	sshll.u32 s21, $0x7  }
0x1b: {  	s24 =	sadd.s32 s4, s23;
	s23 =	simm.s32 $0x0  }
0x1c: {  	[tilespmem:s13], [sflag:$0x2] =	stream.linear.gather [hbm4b:s24+s23], $0x8000, $0x38;
	[tilespmem:$0x11180] =	vst v63  }
0x1d: {  	_ =	swait.ge [sflag:s14], $0x8000  }
0x1e: {  	[sflag:s14] =	ssyncset.done $0x0  }
0x1f: {  	s25 =	simm.s32 $0x0;
	s24 =	simm.s32 $0x0;
	[sflag:s14] =	ssyncadd.s32 $0xFFFF8000  }
.LBB2_3:
0x20: {  	s26 =	sshll.u32 s24, $0x2;
	s28 =	sand.u32 $0x7, s23  }
0x21: {  	s26 =	sand.u32 $0xFFFF8000, s26;
	s28 =	sshll.u32 s28, $0x9  }
0x22: {  	s26 =	sor.u32 s28, s26  }
0x23: {  	s26 =	sshrl.u32 s26, $0x2  }
0x24: {  	s26 =	sor.u32 $0x40, s26  }
0x25: {  	v4 =	vld [tilespmem:s26+$0xFFFFFFC0];
	_ =	sdelay $0x1  }
0x26: {  	v5 =	vld [tilespmem:s26+$0xFFFFFFD0];
	_ =	sdelay $0x2  }
0x27: {  	v10 =	vld [tilespmem:s26+$0xFFFFFFE0];
	v6 =	vmul.f32 $1.442695020e+00, v4;
	_ =	sdelay $0x1  }
0x28: {  	v11 =	vld [tilespmem:s26+$0xFFFFFFF0];
	v7 =	vmul.f32 $1.442695020e+00, v5;
	(erf) = vpow2.f32 v6;
	_ =	sdelay $0x1  }
0x29: {  	v12 =	vld [tilespmem:s26+$0x0];
	(erf) = vpow2.f32 v7  }
0x2a: {  	v6 =	vmul.f32 $1.442695020e+00, v10  }
0x2b: {  	v13 =	vld [tilespmem:s26+$0x10]  }
0x2c: {  	v14 =	vld [tilespmem:s26+$0x20];
	v7 =	vmul.f32 $1.442695020e+00, v11;
	(erf) = vpow2.f32 v6;
	_ =	sdelay $0x1  }
0x2d: {  	v6 =	vmul.f32 $1.442695020e+00, v12;
	(erf) = vpow2.f32 v7;
	_ =	sdelay $0x1  }
0x2e: {  	v8 =	vld [tilespmem:s26+$0x30];
	s31 =	sadd.s32 $0x400, s26;
	(erf) = vpow2.f32 v6;
	v6 =	vimm.f32 $0.0e+00;
	v16 =	vpop (erf)  }
0x2f: {  	v9 =	vld [tilespmem:s31+$0xFFFFFFC0];
	v15 =	vmul.f32 $1.442695020e+00, v14;
	v7 =	vmul.f32 $1.442695020e+00, v13;
	v6 =	vadd.f32 v16, v6  }
0x30: {  	v3 =	vadd.f32 v4, v3;
	v16 =	vpop (erf)  }
0x31: {  	(erf) = vpow2.f32 v7;
	v16 =	vadd.f32 v16, v6  }
0x32: {  	v3 =	vadd.f32 v5, v3;
	v7 =	vld [tilespmem:s31+$0xFFFFFFD0]  }
0x33: {  	v4 =	vmul.f32 $1.442695020e+00, v8;
	(erf) = vpow2.f32 v15;
	v15 =	vpop (erf);
	v6 =	vld [tilespmem:s31+$0xFFFFFFE0]  }
0x34: {  	v3 =	vadd.f32 v10, v3;
	v10 =	vmul.f32 $1.442695020e+00, v9;
	v15 =	vadd.f32 v15, v16  }
0x35: {  	(erf) = vpow2.f32 v4;
	v16 =	vpop (erf)  }
0x36: {  	v5 =	vld [tilespmem:s31+$0xFFFFFFF0];
	v11 =	vadd.f32 v11, v3;
	v15 =	vadd.f32 v16, v15  }
0x37: {  	v4 =	vld [tilespmem:s31+$0x0];
	(erf) = vpow2.f32 v10;
	v16 =	vmul.f32 $1.442695020e+00, v7  }
0x38: {  	v11 =	vadd.f32 v12, v11;
	v10 =	vpop (erf);
	v17 =	vmul.f32 $1.442695020e+00, v6  }
0x39: {  	v3 =	vld [tilespmem:s31+$0x10];
	v10 =	vadd.f32 v10, v15;
	(erf) = vpow2.f32 v16  }
0x3a: {  	v16 =	vadd.f32 v13, v11;
	v15 =	vpop (erf)  }
0x3b: {  	v12 =	vmul.f32 $1.442695020e+00, v5;
	v11 =	vld [tilespmem:s31+$0x20];
	(erf) = vpow2.f32 v17;
	v15 =	vadd.f32 v15, v10  }
0x3c: {  	v13 =	vmul.f32 $1.442695020e+00, v4;
	v17 =	vpop (erf)  }
0x3d: {  	s30 =	simm.s32 $0x8;
	s26 =	sshll.u32 s25, $0x7;
	v14 =	vadd.f32 v14, v16;
	(erf) = vpow2.f32 v12;
	v10 =	vld [tilespmem:s31+$0x30];
	v15 =	vadd.f32 v17, v15  }
0x3e: {  	s28 =	sshll.u32 s25, $0xA;
	s29 =	sand.u32 $0x380, s26;
	v12 =	vmul.f32 $1.442695020e+00, v3;
	s31 =	sadd.s32 $0x400, s31;
	v16 =	vpop (erf)  }
.LBB2_4:
0x3f: {  	v17 =	vld [tilespmem:s31+$0xFFFFFFC0];
	(erf) = vpow2.f32 v13;
	v13 =	vadd.f32 v16, v15;
	v18 =	vadd.f32 v8, v14  }
0x40: {  	s30 =	sadd.s32 $0x8, s30;
	v14 =	vmul.f32 $1.442695020e+00, v11;
	v15 =	vpop (erf);
	v16 =	vmov v11  }
0x41: {  	p0 =	slt.u32 s30, $0x30;
	v11 =	vld [tilespmem:s31+$0xFFFFFFD0];
	v13 =	vadd.f32 v15, v13;
	v18 =	vadd.f32 v9, v18;
	(erf) = vpow2.f32 v12  }
0x42: {  	v12 =	vmul.f32 $1.442695020e+00, v10;
	v15 =	vpop (erf);
	v8 =	vmov v10  }
0x43: {  	v10 =	vld [tilespmem:s31+$0xFFFFFFE0];
	v13 =	vadd.f32 v15, v13;
	v18 =	vadd.f32 v7, v18;
	(erf) = vpow2.f32 v14  }
0x44: {  	v14 =	vmul.f32 $1.442695020e+00, v17;
	v15 =	vpop (erf);
	v9 =	vmov v17  }
0x45: {  	v17 =	vld [tilespmem:s31+$0xFFFFFFF0];
	v13 =	vadd.f32 v15, v13;
	v19 =	vadd.f32 v6, v18;
	(erf) = vpow2.f32 v12  }
0x46: {  	v12 =	vmul.f32 $1.442695020e+00, v11;
	v15 =	vpop (erf);
	v7 =	vmov v11  }
0x47: {  	v18 =	vld [tilespmem:s31+$0x0];
	(erf) = vpow2.f32 v14;
	v11 =	vadd.f32 v15, v13;
	v15 =	vadd.f32 v5, v19  }
0x48: {  	v13 =	vmul.f32 $1.442695020e+00, v10;
	v14 =	vpop (erf);
	v6 =	vmov v10  }
0x49: {  	v19 =	vld [tilespmem:s31+$0x10];
	(erf) = vpow2.f32 v12;
	v10 =	vadd.f32 v14, v11;
	v20 =	vadd.f32 v4, v15  }
.Ltmp0:
0x4a: {  	v12 =	vmul.f32 $1.442695020e+00, v17;
	v14 =	vpop (erf);
	v5 =	vmov v17;
	(pc) =	sbr.rel @p0 .LBB2_4-.Ltmp0, $4  }
0x4b: {  	v11 =	vld [tilespmem:s31+$0x20];
	(erf) = vpow2.f32 v13;
	v14 =	vadd.f32 v14, v10;
	v17 =	vadd.f32 v3, v20  }
0x4c: {  	v13 =	vmul.f32 $1.442695020e+00, v18;
	v15 =	vpop (erf);
	v4 =	vmov v18  }
0x4d: {  	v10 =	vld [tilespmem:s31+$0x30];
	(erf) = vpow2.f32 v12;
	v15 =	vadd.f32 v15, v14;
	v14 =	vadd.f32 v16, v17  }
0x4e: {  	s31 =	sadd.s32 $0x400, s31;
	v12 =	vmul.f32 $1.442695020e+00, v19;
	v16 =	vpop (erf);
	v3 =	vmov v19  }
0x4f: {  	v8 =	vadd.f32 v8, v14  }
0x50: {  	s28 =	sor.u32 s28, s29;
	(erf) = vpow2.f32 v13;
	v42 =	vadd.f32 v16, v15  }
0x51: {  	s29 =	sor.u32 $0x1C00, s28;
	v43 =	vpop (erf);
	v8 =	vadd.f32 v9, v8  }
0x52: {  	v45 =	vmul.f32 $1.442695020e+00, v11;
	(erf) = vpow2.f32 v12;
	v44 =	vld [tilespmem:s29+$0x0];
	v13 =	vadd.f32 v43, v42  }
0x53: {  	s31 =	sor.u32 $0x1C10, s28;
	v46 =	vpop (erf);
	v7 =	vadd.f32 v7, v8  }
0x54: {  	v47 =	vld [tilespmem:s31+$0x0];
	(erf) = vpow2.f32 v45;
	v9 =	vadd.f32 v46, v13  }
0x55: {  	s30 =	sor.u32 $0x1C20, s28;
	v48 =	vmul.f32 $1.442695020e+00, v10;
	v49 =	vpop (erf);
	v6 =	vadd.f32 v6, v7  }
0x56: {  	v50 =	vld [tilespmem:s30+$0x0];
	v8 =	vadd.f32 v49, v9  }
0x57: {  	s31 =	sor.u32 $0x1C30, s28;
	(erf) = vpow2.f32 v48;
	v51 =	vmul.f32 $1.442695020e+00, v44;
	v52 =	vpop (erf);
	v5 =	vadd.f32 v5, v6  }
0x58: {  	s30 =	sor.u32 $0x1C40, s28;
	v53 =	vld [tilespmem:s31+$0x0];
	v7 =	vadd.f32 v52, v8  }
0x59: {  	v56 =	vld [tilespmem:s30+$0x0];
	v54 =	vmul.f32 $1.442695020e+00, v47;
	(erf) = vpow2.f32 v51;
	v55 =	vpop (erf);
	v4 =	vadd.f32 v4, v5  }
0x5a: {  	s31 =	sor.u32 $0x1C50, s28;
	v6 =	vadd.f32 v55, v7  }
0x5b: {  	v58 =	vld [tilespmem:s31+$0x0];
	v57 =	vmul.f32 $1.442695020e+00, v50;
	(erf) = vpow2.f32 v54;
	v5 =	vpop (erf)  }
0x5c: {  	s28 =	sor.u32 $0x1C58, s28;
	v5 =	vadd.f32 v5, v6  }
0x5d: {  	v60 =	vld [tilespmem:s28+$0x0];
	v59 =	vmul.f32 $1.442695020e+00, v53;
	(erf) = vpow2.f32 v57;
	v3 =	vadd.f32 v3, v4;
	v4 =	vpop (erf)  }
0x5e: {  	v4 =	vadd.f32 v4, v5;
	v5 =	vmul.f32 $1.442695020e+00, v56  }
0x5f: {  	(erf) = vpow2.f32 v59  }
0x60: {  	v61 =	vpop (erf);
	(erf) = vpow2.f32 v5;
	v5 =	vmul.f32 $1.442695020e+00, v58  }
0x61: {  	v3 =	vadd.f32 v11, v3;
	v4 =	vadd.f32 v61, v4  }
0x62: {  	v63 =	vmul.f32 $1.442695020e+00, v60;
	v62 =	vpop (erf)  }
0x63: {  	v3 =	vadd.f32 v10, v3;
	v4 =	vadd.f32 v62, v4;
	(erf) = vpow2.f32 v5  }
0x64: {  	v5 =	vpop (erf);
	(erf) = vpow2.f32 v63  }
0x65: {  	v3 =	vadd.f32 v44, v3;
	v4 =	vadd.f32 v5, v4  }
0x66: {  	v5 =	vpop (erf)  }
0x67: {  	v3 =	vadd.f32 v47, v3;
	v4 =	vadd.f32 v5, v4  }
0x68: {  	v5 =	vpop (erf)  }
0x69: {  	v3 =	vadd.f32 v50, v3;
	v4 =	vadd.f32 v5, v4  }
0x6a: {  	v5 =	vpop (erf)  }
0x6b: {  	s25 =	sadd.s32 $0x1, s25;
	v3 =	vadd.f32 v53, v3;
	v4 =	vadd.f32 v5, v4  }
0x6c: {  	p0 =	sne.s32 s25, $0x20;
	v5 =	vpop (erf)  }
.Ltmp1:
0x6d: {  	v3 =	vadd.f32 v56, v3;
	v4 =	vadd.f32 v5, v4;
	v5 =	vpop (erf);
	(pc) =	sbr.rel @p0 .LBB2_3-.Ltmp1, $4  }
0x6e: {  	v5 =	vsel vm0, $0x0, v5  }
0x6f: {  	v3 =	vadd.f32 v58, v3;
	v4 =	vadd.f32 v5, v4  }
0x70: {  	s26 =	sand.u32 $0x3FFFFF80, s26;
	v5 =	vsel vm0, $0x0, v60  }
0x71: {  	s24 =	sadd.s32 $0x400, s24;
	s23 =	sadd.s32 $0x1, s23;
	v3 =	vadd.f32 v5, v3;
	[tilespmem:s26+$0x10000] =	vst v4  }
0x72: {  	s23 =	sadd.s32 s3, s22  }
0x73: {  	s23 =	sshll.u32 s23, $0x4  }
0x74: {  	s23 =	sadd.s32 s5, s23  }
0x75: {  	[hbm4b:s23+s2] =	stream.linear.scatter [tilespmem:s15], [sflag:$0x3], $0x1000, $0x38;
	[tilespmem:$0x11180] =	vst v63  }
0x76: {  	_ =	swait.ge [sflag:s12], $0x1000  }
0x77: {  	[sflag:s12] =	ssyncset.done $0x0  }
0x78: {  	[sflag:s12] =	ssyncadd.s32 $0xFFFFF000  }
0x79: {  	v4 =	vld [tilespmem:s22+$0x11000];
	_ =	sdelay $0x1  }
0x7a: {  	v5 =	vld [tilespmem:s22+$0x11010];
	_ =	sdelay $0x2  }
0x7b: {  	v6 =	vshll.u32 v4, $0x3  }
0x7c: {  	v4 =	vand.u32 $0x7F, v4;
	v6 =	vand.u32 $0xFFFFFC00, v6  }
0x7d: {  	v63 =	vshll.u32 v5, $0x3;
	v4 =	vor.u32 v4, v6  }
0x7e: {  	v5 =	vand.u32 $0x7F, v5;
	v6 =	vand.u32 $0xFFFFFC00, v63;
	v4 =	vadd.s32 v0, v4  }
0x7f: {  	v5 =	vor.u32 v5, v6  }
0x80: {  	v5 =	vadd.s32 v1, v5;
	_ =	sdelay $0x2  }
0x81: {  	p0 =	seq.s32 s19, $0x2;
	v4 =	vld.idx.msk [tilespmem:v4+s2+$0x0], $0xffff  }
0x82: {  	s22 =	sadd.s32 @!p0 s22, s8  }
0x83: {  	s22 =	sshll.u32 @!p0 s22, $0x7;
	v5 =	vld.idx.msk [tilespmem:v5+s2+$0x0], $0xffff  }
0x84: {  	s23 =	simm.s32 @!p0 $0x0;
	s22 =	sadd.s32 @!p0 s4, s22  }
0x85: {  	[tilespmem:s23], [sflag:$0x1] =	stream.linear.gather @!p0 [hbm4b:s22+s23], $0x8000, $0x38;
	[tilespmem:$0x11180] =	vst v63  }
0x86: {  	_ =	swait.ge [sflag:s16], $0x8000;
	v2 =	vadd.f32 v4, v2  }
0x87: {  	s24 =	simm.s32 $0x0;
	[sflag:s16] =	ssyncset.done $0x0  }
0x88: {  	s22 =	simm.s32 $0x0;
	s23 =	simm.s32 $0x0;
	[sflag:s16] =	ssyncadd.s32 $0xFFFF8000;
	v2 =	vadd.f32 v5, v2  }
.LBB2_7:
0x89: {  	s25 =	sshll.u32 s23, $0x2;
	s26 =	sand.u32 $0x7, s22  }
0x8a: {  	s25 =	sand.u32 $0xFFFF8000, s25;
	s26 =	sshll.u32 s26, $0x9  }
0x8b: {  	s25 =	sor.u32 s26, s25  }
0x8c: {  	s25 =	sshrl.u32 s25, $0x2  }
0x8d: {  	s25 =	sadd.s32 $0x8040, s25  }
0x8e: {  	v4 =	vld [tilespmem:s25+$0xFFFFFFC0];
	_ =	sdelay $0x1  }
0x8f: {  	v5 =	vld [tilespmem:s25+$0xFFFFFFD0];
	_ =	sdelay $0x2  }
0x90: {  	v10 =	vld [tilespmem:s25+$0xFFFFFFE0];
	v6 =	vmul.f32 $1.442695020e+00, v4;
	_ =	sdelay $0x1  }
0x91: {  	v11 =	vld [tilespmem:s25+$0xFFFFFFF0];
	v7 =	vmul.f32 $1.442695020e+00, v5;
	(erf) = vpow2.f32 v6;
	_ =	sdelay $0x1  }
0x92: {  	v12 =	vld [tilespmem:s25+$0x0];
	(erf) = vpow2.f32 v7  }
0x93: {  	v6 =	vmul.f32 $1.442695020e+00, v10  }
0x94: {  	v13 =	vld [tilespmem:s25+$0x10]  }
0x95: {  	v14 =	vld [tilespmem:s25+$0x20];
	v7 =	vmul.f32 $1.442695020e+00, v11;
	(erf) = vpow2.f32 v6;
	_ =	sdelay $0x1  }
0x96: {  	v6 =	vmul.f32 $1.442695020e+00, v12;
	(erf) = vpow2.f32 v7;
	_ =	sdelay $0x1  }
0x97: {  	v8 =	vld [tilespmem:s25+$0x30];
	s30 =	sadd.s32 $0x400, s25;
	(erf) = vpow2.f32 v6;
	v6 =	vimm.f32 $0.0e+00;
	v16 =	vpop (erf)  }
0x98: {  	v9 =	vld [tilespmem:s30+$0xFFFFFFC0];
	v15 =	vmul.f32 $1.442695020e+00, v14;
	v7 =	vmul.f32 $1.442695020e+00, v13;
	v6 =	vadd.f32 v16, v6  }
0x99: {  	v3 =	vadd.f32 v4, v3;
	v16 =	vpop (erf)  }
0x9a: {  	(erf) = vpow2.f32 v7;
	v16 =	vadd.f32 v16, v6  }
0x9b: {  	v3 =	vadd.f32 v5, v3;
	v7 =	vld [tilespmem:s30+$0xFFFFFFD0]  }
0x9c: {  	v4 =	vmul.f32 $1.442695020e+00, v8;
	(erf) = vpow2.f32 v15;
	v15 =	vpop (erf);
	v6 =	vld [tilespmem:s30+$0xFFFFFFE0]  }
0x9d: {  	v3 =	vadd.f32 v10, v3;
	v10 =	vmul.f32 $1.442695020e+00, v9;
	v15 =	vadd.f32 v15, v16  }
0x9e: {  	(erf) = vpow2.f32 v4;
	v16 =	vpop (erf)  }
0x9f: {  	v5 =	vld [tilespmem:s30+$0xFFFFFFF0];
	v11 =	vadd.f32 v11, v3;
	v15 =	vadd.f32 v16, v15  }
0xa0: {  	v4 =	vld [tilespmem:s30+$0x0];
	(erf) = vpow2.f32 v10;
	v16 =	vmul.f32 $1.442695020e+00, v7  }
0xa1: {  	v11 =	vadd.f32 v12, v11;
	v10 =	vpop (erf);
	v17 =	vmul.f32 $1.442695020e+00, v6  }
0xa2: {  	v3 =	vld [tilespmem:s30+$0x10];
	v10 =	vadd.f32 v10, v15;
	(erf) = vpow2.f32 v16  }
0xa3: {  	v16 =	vadd.f32 v13, v11;
	v15 =	vpop (erf)  }
0xa4: {  	v12 =	vmul.f32 $1.442695020e+00, v5;
	v11 =	vld [tilespmem:s30+$0x20];
	(erf) = vpow2.f32 v17;
	v15 =	vadd.f32 v15, v10  }
0xa5: {  	v13 =	vmul.f32 $1.442695020e+00, v4;
	v17 =	vpop (erf)  }
0xa6: {  	s29 =	simm.s32 $0x8;
	s25 =	sshll.u32 s24, $0x7;
	v14 =	vadd.f32 v14, v16;
	(erf) = vpow2.f32 v12;
	v10 =	vld [tilespmem:s30+$0x30];
	v15 =	vadd.f32 v17, v15  }
0xa7: {  	s26 =	sshll.u32 s24, $0xA;
	s28 =	sand.u32 $0x380, s25;
	v12 =	vmul.f32 $1.442695020e+00, v3;
	s30 =	sadd.s32 $0x400, s30;
	v16 =	vpop (erf)  }
.LBB2_8:
0xa8: {  	v17 =	vld [tilespmem:s30+$0xFFFFFFC0];
	(erf) = vpow2.f32 v13;
	v13 =	vadd.f32 v16, v15;
	v18 =	vadd.f32 v8, v14  }
0xa9: {  	s29 =	sadd.s32 $0x8, s29;
	v14 =	vmul.f32 $1.442695020e+00, v11;
	v15 =	vpop (erf);
	v16 =	vmov v11  }
0xaa: {  	p0 =	slt.u32 s29, $0x30;
	v11 =	vld [tilespmem:s30+$0xFFFFFFD0];
	v13 =	vadd.f32 v15, v13;
	v18 =	vadd.f32 v9, v18;
	(erf) = vpow2.f32 v12  }
0xab: {  	v12 =	vmul.f32 $1.442695020e+00, v10;
	v15 =	vpop (erf);
	v8 =	vmov v10  }
0xac: {  	v10 =	vld [tilespmem:s30+$0xFFFFFFE0];
	v13 =	vadd.f32 v15, v13;
	v18 =	vadd.f32 v7, v18;
	(erf) = vpow2.f32 v14  }
0xad: {  	v14 =	vmul.f32 $1.442695020e+00, v17;
	v15 =	vpop (erf);
	v9 =	vmov v17  }
0xae: {  	v17 =	vld [tilespmem:s30+$0xFFFFFFF0];
	v13 =	vadd.f32 v15, v13;
	v19 =	vadd.f32 v6, v18;
	(erf) = vpow2.f32 v12  }
0xaf: {  	v12 =	vmul.f32 $1.442695020e+00, v11;
	v15 =	vpop (erf);
	v7 =	vmov v11  }
0xb0: {  	v18 =	vld [tilespmem:s30+$0x0];
	(erf) = vpow2.f32 v14;
	v11 =	vadd.f32 v15, v13;
	v15 =	vadd.f32 v5, v19  }
0xb1: {  	v13 =	vmul.f32 $1.442695020e+00, v10;
	v14 =	vpop (erf);
	v6 =	vmov v10  }
0xb2: {  	v19 =	vld [tilespmem:s30+$0x10];
	(erf) = vpow2.f32 v12;
	v10 =	vadd.f32 v14, v11;
	v20 =	vadd.f32 v4, v15  }
.Ltmp2:
0xb3: {  	v12 =	vmul.f32 $1.442695020e+00, v17;
	v14 =	vpop (erf);
	v5 =	vmov v17;
	(pc) =	sbr.rel @p0 .LBB2_8-.Ltmp2, $4  }
0xb4: {  	v11 =	vld [tilespmem:s30+$0x20];
	(erf) = vpow2.f32 v13;
	v14 =	vadd.f32 v14, v10;
	v17 =	vadd.f32 v3, v20  }
0xb5: {  	v13 =	vmul.f32 $1.442695020e+00, v18;
	v15 =	vpop (erf);
	v4 =	vmov v18  }
0xb6: {  	v10 =	vld [tilespmem:s30+$0x30];
	(erf) = vpow2.f32 v12;
	v15 =	vadd.f32 v15, v14;
	v14 =	vadd.f32 v16, v17  }
0xb7: {  	s30 =	sadd.s32 $0x400, s30;
	v12 =	vmul.f32 $1.442695020e+00, v19;
	v16 =	vpop (erf);
	v3 =	vmov v19  }
0xb8: {  	v8 =	vadd.f32 v8, v14  }
0xb9: {  	s26 =	sor.u32 s26, s28;
	(erf) = vpow2.f32 v13;
	v42 =	vadd.f32 v16, v15  }
0xba: {  	s28 =	sor.u32 $0x1C00, s26;
	v43 =	vpop (erf);
	v8 =	vadd.f32 v9, v8  }
0xbb: {  	v45 =	vmul.f32 $1.442695020e+00, v11;
	(erf) = vpow2.f32 v12;
	v44 =	vld [tilespmem:s28+$0x8000];
	v13 =	vadd.f32 v43, v42  }
0xbc: {  	s30 =	sor.u32 $0x1C10, s26;
	v46 =	vpop (erf);
	v7 =	vadd.f32 v7, v8  }
0xbd: {  	v47 =	vld [tilespmem:s30+$0x8000];
	(erf) = vpow2.f32 v45;
	v9 =	vadd.f32 v46, v13  }
0xbe: {  	s31 =	sor.u32 $0x1C20, s26;
	v48 =	vmul.f32 $1.442695020e+00, v10;
	v49 =	vpop (erf);
	v6 =	vadd.f32 v6, v7  }
0xbf: {  	v50 =	vld [tilespmem:s31+$0x8000];
	v8 =	vadd.f32 v49, v9  }
0xc0: {  	s29 =	sor.u32 $0x1C30, s26;
	(erf) = vpow2.f32 v48;
	v51 =	vmul.f32 $1.442695020e+00, v44;
	v52 =	vpop (erf);
	v5 =	vadd.f32 v5, v6  }
0xc1: {  	v53 =	vld [tilespmem:s29+$0x8000];
	s30 =	sor.u32 $0x1C40, s26;
	v7 =	vadd.f32 v52, v8  }
0xc2: {  	v56 =	vld [tilespmem:s30+$0x8000];
	v54 =	vmul.f32 $1.442695020e+00, v47;
	(erf) = vpow2.f32 v51;
	v55 =	vpop (erf);
	v4 =	vadd.f32 v4, v5  }
0xc3: {  	s31 =	sor.u32 $0x1C50, s26;
	v6 =	vadd.f32 v55, v7  }
0xc4: {  	v58 =	vld [tilespmem:s31+$0x8000];
	v57 =	vmul.f32 $1.442695020e+00, v50;
	(erf) = vpow2.f32 v54;
	v5 =	vpop (erf)  }
0xc5: {  	s26 =	sor.u32 $0x1C58, s26;
	v5 =	vadd.f32 v5, v6  }
0xc6: {  	v60 =	vld [tilespmem:s26+$0x8000];
	v59 =	vmul.f32 $1.442695020e+00, v53;
	(erf) = vpow2.f32 v57;
	v3 =	vadd.f32 v3, v4;
	v4 =	vpop (erf)  }
0xc7: {  	v4 =	vadd.f32 v4, v5;
	v5 =	vmul.f32 $1.442695020e+00, v56  }
0xc8: {  	(erf) = vpow2.f32 v59  }
0xc9: {  	v61 =	vpop (erf);
	(erf) = vpow2.f32 v5;
	v5 =	vmul.f32 $1.442695020e+00, v58  }
0xca: {  	v3 =	vadd.f32 v11, v3;
	v4 =	vadd.f32 v61, v4  }
0xcb: {  	v63 =	vmul.f32 $1.442695020e+00, v60;
	v62 =	vpop (erf)  }
0xcc: {  	v3 =	vadd.f32 v10, v3;
	v4 =	vadd.f32 v62, v4;
	(erf) = vpow2.f32 v5  }
0xcd: {  	v5 =	vpop (erf);
	(erf) = vpow2.f32 v63  }
0xce: {  	v3 =	vadd.f32 v44, v3;
	v4 =	vadd.f32 v5, v4  }
0xcf: {  	v5 =	vpop (erf)  }
0xd0: {  	v3 =	vadd.f32 v47, v3;
	v4 =	vadd.f32 v5, v4  }
0xd1: {  	v5 =	vpop (erf)  }
0xd2: {  	v3 =	vadd.f32 v50, v3;
	v4 =	vadd.f32 v5, v4  }
0xd3: {  	v5 =	vpop (erf)  }
0xd4: {  	s24 =	sadd.s32 $0x1, s24;
	v3 =	vadd.f32 v53, v3;
	v4 =	vadd.f32 v5, v4  }
0xd5: {  	p0 =	sne.s32 s24, $0x20;
	v5 =	vpop (erf)  }
.Ltmp3:
0xd6: {  	v3 =	vadd.f32 v56, v3;
	v4 =	vadd.f32 v5, v4;
	v5 =	vpop (erf);
	(pc) =	sbr.rel @p0 .LBB2_7-.Ltmp3, $4  }
0xd7: {  	v5 =	vsel vm0, $0x0, v5  }
0xd8: {  	v3 =	vadd.f32 v58, v3;
	v4 =	vadd.f32 v5, v4  }
0xd9: {  	s25 =	sand.u32 $0x3FFFFF80, s25;
	v5 =	vsel vm0, $0x0, v60  }
0xda: {  	s23 =	sadd.s32 $0x400, s23;
	s22 =	sadd.s32 $0x1, s22;
	v3 =	vadd.f32 v5, v3;
	[tilespmem:s25+$0x10000] =	vst v4  }
0xdb: {  	s21 =	sshll.u32 s21, $0x4  }
0xdc: {  	s21 =	sadd.s32 s5, s21  }
0xdd: {  	[hbm4b:s21+s2] =	stream.linear.scatter [tilespmem:s15], [sflag:$0x3], $0x1000, $0x38;
	[tilespmem:$0x11180] =	vst v63  }
0xde: {  	_ =	swait.ge [sflag:s12], $0x1000  }
0xdf: {  	[sflag:s12] =	ssyncset.done $0x0  }
0xe0: {  	[sflag:s12] =	ssyncadd.s32 $0xFFFFF000  }
0xe1: {  	v4 =	vld [tilespmem:s20+$0x11000];
	_ =	sdelay $0x1  }
0xe2: {  	v5 =	vld [tilespmem:s20+$0x11010];
	_ =	sdelay $0x2  }
0xe3: {  	v6 =	vshll.u32 v4, $0x3  }
0xe4: {  	v4 =	vand.u32 $0x7F, v4;
	v6 =	vand.u32 $0xFFFFFC00, v6  }
0xe5: {  	v63 =	vshll.u32 v5, $0x3;
	v4 =	vor.u32 v4, v6  }
0xe6: {  	v5 =	vand.u32 $0x7F, v5;
	v6 =	vand.u32 $0xFFFFFC00, v63;
	v4 =	vadd.s32 v0, v4  }
0xe7: {  	v5 =	vor.u32 v5, v6  }
0xe8: {  	v5 =	vadd.s32 v1, v5;
	_ =	sdelay $0x2  }
0xe9: {  	v4 =	vld.idx.msk [tilespmem:v4+s13+$0x0], $0xffff  }
0xea: {  	s19 =	sadd.s32 $0x1, s19  }
0xeb: {  	p0 =	sne.s32 s19, $0x3;
	v5 =	vld.idx.msk [tilespmem:v5+s13+$0x0], $0xffff  }
.Ltmp4:
0xec: {  	_ = 	snop;
	(pc) =	sbr.rel @p0 .LBB2_2-.Ltmp4, $3  }
0xed: {  	_ = 	snop  }
0xee: {  	v2 =	vadd.f32 v4, v2;
	_ =	sdelay $0x1  }
0xef: {  	v2 =	vadd.f32 v5, v2  }
0xf0: {  	_ = 	snop  }
0xf1: {  	v3 =	vmul.f32 $1.001001000e-04, v3;
	v2 =	vmul.f32 $8.998998990e-01, v2;
	_ =	sdelay $0x1  }
0xf2: {  	s18 =	sadd.s32 $0x1, s18;
	v2 =	vadd.f32 v2, v3  }
0xf3: {  	p0 =	sne.s32 s18, s10  }
.Ltmp5:
0xf4: {  	[tilespmem:$0x11100] =	vst v2;
	(pc) =	sbr.rel @p0 .LBB2_1-.Ltmp5, $4  }
0xf5: {  	[hbm4b:s9+s2] =	stream.linear.scatter [tilespmem:s17], [sflag:$0x3], $0x80, $0x38;
	[tilespmem:$0x11180] =	vst v63  }
0xf6: {  	_ =	swait.ge [sflag:s12], $0x80  }
0xf7: {  	[sflag:s12] =	ssyncset.done $0x0  }
0xf8: {  	[sflag:s12] =	ssyncadd.s32 $0xFFFFFF80  }
0xf9: {  	_ =	sfence.sel $0x180000  }
0xfa: {  	[bflag:$0x0] =	sbarrier.arrive $0xFFFF  }
0xfb: {  	p0 =	sne.s32 s0, $0x0;
	_ =	strace $0x90000047  }
0xfc: {  	s0 =	sadd.s32 @!p0 $0x100000, s1;
	[bflag:$0x2] =	sbarrier.arrive $0xFFFF  }
0xfd: {  	[sflag:s0] =	ssyncadd.tile.s32 @!p0 $0x1;
	_ =	shalt  }
.Lfunc_end2:
_tile_overlayer_lowered:
.L_overlay_start_2:
0xfe: {  	(tag) =	ssettag $0x2  }
0xff: {  	s0 =	rddreg [dreg:$0x0];
	s2 =	stileid.u32  }
0x100: {  	s1 =	rddreg [dreg:$0x1];
	p0 =	sne.s32 s2, $0x0  }
0x101: {  	s3 =	rddreg [dreg:$0x2];
	[bflag:$0x3] =	sbarrier.arrive $0xFFFF;
	s2 =	simm.s32 @!p0 $0x1C03  }
0x102: {  	[timem:s3], [sflag:s2] =	dma.local @!p0 [hbm:s0], s1  }
0x103: {  	s0 =	simm.s32 @!p0 $0x3  }
0x104: {  	_ =	swait.ge @!p0 [sflag:s0], s1  }
0x105: {  	s1 =	ssub.s32 @!p0 $0x0, s1;
	[sflag:s0] =	ssyncset.done @!p0 $0x0  }
0x106: {  	[sflag:s0] =	ssyncadd.s32 @!p0 s1  }
0x107: {  	[bflag:$0x3] =	sbarrier.arrive $0xFFFF  }
0x108: {  	_ =	shalt  }

</sc_bundles>
